<compile_context>
chip_gen: v7x
topology: tpu7x:2x2x1
jax: 0.10.2.dev20260603
libtpu: 0.0.44.dev20260713+nightly
codegen_flags: <defaults>
</compile_context>

<pallas_src>
import functools

import jax
import jax.numpy as jnp
import numpy as np
from jax import lax
from jax.experimental import pallas as pl
from jax.experimental.pallas import tpu as pltpu
from jax.experimental.pallas import tpu_sc as plsc

_EPS = 1e-6
_CUT = 10.0
_NQ, _NCTX, _E = 15000, 50000, 480000
_EC = 16

_NC, _NS = 2, 16
_NW = _NC * _NS
_EPW = _E // _NW
_CH = 120
_NCHUNK = _EPW // _CH
_NQP = 15360
_RPT = _NQP // _NS


def _kronC(W):
    return jnp.kron(jnp.eye(3, dtype=W.dtype), W.T)


def _kronX(W):
    in_ = W.shape[1]
    perm = (np.arange(3)[None, :] * in_ + np.arange(in_)[:, None]).reshape(-1)
    return _kronC(W)[perm]


def _r3(x, n):
    return x[:, :n] + x[:, n:2 * n] + x[:, 2 * n:3 * n]


def _e3(x):
    return jnp.concatenate([x, x, x], axis=1)


def _dot(a, b):
    return jnp.dot(a, b, preferred_element_type=jnp.float32)


def _node_body(sca, nvf, pc8, A1, Wsn, Wss, A2, Gw, gb, out):
    inter = _dot(nvf[...], A1[...])
    nrm = jnp.sqrt(_r3(inter * inter, 32) + 1e-12)
    s = _dot(nrm, Wsn[...]) + _dot(sca[...], Wss[...])
    vv = _dot(inter, A2[...])
    gate = jax.nn.sigmoid(_dot(s, Gw[...]) + gb[...])
    vv = vv * _e3(gate)
    pad = jnp.zeros((s.shape[0], 8), jnp.float32)
    out[...] = jnp.concatenate([s, vv, pc8[...], pad], axis=1)


def _tc_node(sca, nvf, pc8, ws):
    bn = 2000
    grid = (_NCTX // bn,)
    row = lambda shape: pl.BlockSpec(shape, lambda i: (i, 0))
    full = lambda a: pl.BlockSpec(a.shape, lambda i: (0,) * a.ndim)
    return pl.pallas_call(
        _node_body,
        grid=grid,
        in_specs=[row((bn, 128)), row((bn, 96)), row((bn, 8))] + [full(a) for a in ws],
        out_specs=row((bn, 128)),
        out_shape=jax.ShapeDtypeStruct((_NCTX, 128), jnp.float32),
    )(sca, nvf, pc8, *ws)


def _sc_gather(T, pq8, dst, src):
    mesh = plsc.VectorSubcoreMesh(core_axis_name="c", subcore_axis_name="s",
                                  num_cores=_NC, num_subcores=_NS)

    @functools.partial(
        pl.kernel,
        out_type=[jax.ShapeDtypeStruct((_E, 128), jnp.float32),
                  jax.ShapeDtypeStruct((_E, 8), jnp.float32)],
        mesh=mesh,
        scratch_types=[pltpu.VMEM((_CH,), jnp.int32),
                       pltpu.VMEM((_CH,), jnp.int32),
                       pltpu.VMEM((_CH, 128), jnp.float32),
                       pltpu.VMEM((_CH, 8), jnp.float32),
                       pltpu.SemaphoreType.DMA,
                       pltpu.SemaphoreType.DMA],
        compiler_params=pltpu.CompilerParams(use_tc_tiling_on_sc=False),
    )
    def gather_k(t_hbm, pq_hbm, dst_hbm, src_hbm, g_hbm, gq_hbm,
                 idx_d, idx_s, rows_t, rows_q, sem1, sem2):
        w = lax.axis_index("s") * _NC + lax.axis_index("c")
        base0 = w * _EPW

        def body(j, carry):
            base = base0 + j * _CH
            pltpu.sync_copy(dst_hbm.at[pl.ds(base, _CH)], idx_d)
            pltpu.sync_copy(src_hbm.at[pl.ds(base, _CH)], idx_s)
            c1 = pltpu.async_copy(t_hbm.at[idx_d], rows_t, sem1)
            c2 = pltpu.async_copy(pq_hbm.at[idx_s], rows_q, sem2)
            c1.wait()
            c2.wait()
            pltpu.sync_copy(rows_t, g_hbm.at[pl.ds(base, _CH)])
            pltpu.sync_copy(rows_q, gq_hbm.at[pl.ds(base, _CH)])
            return carry

        lax.fori_loop(0, _NCHUNK, body, 0)

    return gather_k(T, pq8, dst, src)


def _edge_body(g, gq, offs, wrow, A1e, Wsne, Wsse, A2e, Gwe, gbe,
               Aact, scaW, scab, e2nW, e2nb, n2eW, n2eb, Avn, bvn,
               A1o, Wsno, Wsso, A2o, Gwo, gbo, out):
    ns_e = g[:, 0:64]
    nv_e = g[:, 64:112]
    pc = g[:, 112:120]
    vec = gq[...] - pc
    d2 = jnp.sum(vec * vec, axis=1, keepdims=True)
    dist = jnp.sqrt(d2 + 1e-12)
    step = _CUT / (_EC - 1)
    coeff = -0.5 / step ** 2
    esf = jnp.exp(coeff * (dist - offs[...]) ** 2)
    vnorm = vec / (dist + 1e-7)
    evf = jnp.concatenate([vnorm[:, 0:1] * wrow[...],
                           vnorm[:, 1:2] * wrow[...],
                           vnorm[:, 2:3] * wrow[...]], axis=1)
    inter = _dot(evf, A1e[...])
    nrm = jnp.sqrt(_r3(inter * inter, 16) + 1e-12)
    s = _dot(nrm, Wsne[...]) + _dot(esf, Wsse[...])
    vv = _dot(inter, A2e[...])
    gate = jax.nn.sigmoid(_dot(s, Gwe[...]) + gbe[...])
    vv = vv * _e3(gate)
    es = jnp.where(s >= 0, s, 0.01 * s)
    dvec = _dot(vv, Aact[...])
    vdot = _r3(vv * dvec, 16)
    dns = _r3(dvec * dvec, 16)
    mask = (vdot >= 0.).astype(jnp.float32)
    corr = vv - _e3(vdot / (dns + _EPS)) * dvec
    ev = 0.2 * vv + 0.8 * (_e3(mask) * vv + _e3(1. - mask) * corr)
    y_s = ns_e * (_dot(es, scaW[...]) + scab[...])
    y_v = _e3(_dot(es, e2nW[...]) + e2nb[...]) * nv_e
    y_v = y_v + (_e3(_dot(ns_e, n2eW[...]) + n2eb[...])
                 * (_dot(ev, Avn[...]) + bvn[...]))
    inter2 = _dot(y_v, A1o[...])
    nrm2 = jnp.sqrt(_r3(inter2 * inter2, 16) + 1e-12)
    o_s = _dot(nrm2, Wsno[...]) + _dot(y_s, Wsso[...])
    o_v = _dot(inter2, A2o[...])
    gate2 = jax.nn.sigmoid(_dot(o_s, Gwo[...]) + gbo[...])
    o_v = o_v * _e3(gate2)
    C = 0.5 * (jnp.cos(dist * (np.pi / _CUT)) + 1.0)
    C = C * (dist <= _CUT).astype(jnp.float32)
    pad = jnp.zeros((o_s.shape[0], 16), jnp.float32)
    out[...] = jnp.concatenate([o_s * C, o_v * C, pad], axis=1)


def _tc_edge(G, Gq, ws):
    bn = 2000
    grid = (_E // bn,)
    row = lambda shape: pl.BlockSpec(shape, lambda i: (i, 0))
    full = lambda a: pl.BlockSpec(a.shape, lambda i: (0,) * a.ndim)
    return pl.pallas_call(
        _edge_body,
        grid=grid,
        in_specs=[row((bn, 128)), row((bn, 8))] + [full(a) for a in ws],
        out_specs=row((bn, 128)),
        out_shape=jax.ShapeDtypeStruct((_E, 128), jnp.float32),
    )(G, Gq, *ws)


def _sc_scatter_one(O, src, z, col0, width):
    mesh = plsc.VectorSubcoreMesh(core_axis_name="c", subcore_axis_name="s",
                                  num_cores=_NC, num_subcores=_NS)

    @functools.partial(
        pl.kernel,
        out_type=jax.ShapeDtypeStruct((_NC, _NQP, width), jnp.float32),
        mesh=mesh,
        scratch_types=[pltpu.VMEM((_CH,), jnp.int32),
                       pltpu.VMEM((_CH, width), jnp.float32),
                       pltpu.VMEM_SHARED((_NQP, width), jnp.float32)],
        compiler_params=pltpu.CompilerParams(use_tc_tiling_on_sc=False),
    )
    def scatter_k(o_hbm, src_hbm, z_hbm, p_hbm, idx_v, buf, acc):
        c = lax.axis_index("c")
        s = lax.axis_index("s")
        w = s * _NC + c
        t0 = s * _RPT
        pltpu.sync_copy(z_hbm, acc.at[pl.ds(t0, _RPT)])
        plsc.subcore_barrier()

        def body(j, carry):
            base = w * _EPW + j * _CH
            pltpu.sync_copy(src_hbm.at[pl.ds(base, _CH)], idx_v)
            pltpu.sync_copy(o_hbm.at[pl.ds(base, _CH), pl.ds(col0, width)],
                            buf)
            pltpu.sync_copy(buf, acc.at[idx_v], add=True)
            return carry

        lax.fori_loop(0, _NCHUNK, body, 0)
        plsc.subcore_barrier()
        pltpu.sync_copy(acc.at[pl.ds(t0, _RPT)], p_hbm.at[c, pl.ds(t0, _RPT)])

    return scatter_k(O, src, z)


def _final_body(ps, pv, A1c, Wsnc, Wssc, A2c, Gwc, gbc, Aactc,
                A1g, Wsng, Wssg, out):
    agg_s = ps[0] + ps[1]
    agg_v = pv[0] + pv[1]
    inter = _dot(agg_v, A1c[...])
    nrm = jnp.sqrt(_r3(inter * inter, 16) + 1e-12)
    s = _dot(nrm, Wsnc[...]) + _dot(agg_s, Wssc[...])
    vv = _dot(inter, A2c[...])
    gate = jax.nn.sigmoid(_dot(s, Gwc[...]) + gbc[...])
    vv = vv * _e3(gate)
    cs = jnp.where(s >= 0, s, 0.01 * s)
    dvec = _dot(vv, Aactc[...])
    vdot = _r3(vv * dvec, 16)
    dns = _r3(dvec * dvec, 16)
    mask = (vdot >= 0.).astype(jnp.float32)
    corr = vv - _e3(vdot / (dns + _EPS)) * dvec
    cv = 0.2 * vv + 0.8 * (_e3(mask) * vv + _e3(1. - mask) * corr)
    inter2 = _dot(cv, A1g[...])
    nrm2 = jnp.sqrt(_r3(inter2 * inter2, 16) + 1e-12)
    out[...] = _dot(nrm2, Wsng[...]) + _dot(cs, Wssg[...])


def _tc_final(Ps, Pv, ws):
    bn = 1000
    grid = (_NQ // bn,)
    row2 = lambda shape: pl.BlockSpec(shape, lambda i: (0, i, 0))
    full = lambda a: pl.BlockSpec(a.shape, lambda i: (0,) * a.ndim)
    return pl.pallas_call(
        _final_body,
        grid=grid,
        in_specs=[row2((2, bn, 64)), row2((2, bn, 48))] + [full(a) for a in ws],
        out_specs=pl.BlockSpec((bn, 16), lambda i: (i, 0)),
        out_shape=jax.ShapeDtypeStruct((_NQ, 16), jnp.float32),
    )(Ps, Pv, *ws)


def kernel(pos_query, pos_compose, node_attr_compose_sca, node_attr_compose_vec,
           params, edge_index_q_cps_knn):
    f32 = jnp.float32
    src = edge_index_q_cps_knn[0].astype(jnp.int32)
    dst = edge_index_q_cps_knn[1].astype(jnp.int32)
    nvf = node_attr_compose_vec.reshape(_NCTX, -1).astype(f32)
    pc8 = jnp.pad(pos_compose.astype(f32), ((0, 0), (0, 5)))
    pq8 = jnp.pad(pos_query.astype(f32), ((0, 0), (0, 5)))

    mp = params['msg']
    r1 = lambda b: b.astype(f32).reshape(1, -1)

    ng = mp['node_gv']
    ws1 = [_kronX(ng['lin_vector_W']),
           ng['lin_scalar_W'][:, :32].T, ng['lin_scalar_W'][:, 32:].T,
           _kronC(ng['lin_vector2_W']), ng['gates_W'].T, r1(ng['gates_b'])]

    eg = mp['edge_gvp']
    og = mp['out_gv']
    offs = jnp.linspace(0., _CUT, _EC).reshape(1, _EC)
    wrow = params['vec_exp_W'][:, 0].astype(f32).reshape(1, _EC)
    ws3 = [offs, wrow,
           _kronC(eg['lin_vector_W']),
           eg['lin_scalar_W'][:, :16].T, eg['lin_scalar_W'][:, 16:].T,
           _kronC(eg['lin_vector2_W']), eg['gates_W'].T, r1(eg['gates_b']),
           _kronC(eg['act_vec_W']),
           mp['sca_W'].T, r1(mp['sca_b']),
           mp['e2n_W'].T, r1(mp['e2n_b']),
           mp['n2e_W'].T, r1(mp['n2e_b']),
           _kronC(mp['edge_vn_W']), r1(jnp.tile(mp['edge_vn_b'], 3)),
           _kronC(og['lin_vector_W']),
           og['lin_scalar_W'][:, :16].T, og['lin_scalar_W'][:, 16:].T,
           _kronC(og['lin_vector2_W']), og['gates_W'].T, r1(og['gates_b'])]

    cg = params['cls_gvp']
    gg = params['cls_gv']
    Wsng = jnp.zeros((16, 16), f32).at[:, :13].set(gg['lin_scalar_W'][:, :16].T)
    Wssg = jnp.zeros((64, 16), f32).at[:, :13].set(gg['lin_scalar_W'][:, 16:].T)
    ws5 = [_kronC(cg['lin_vector_W']),
           cg['lin_scalar_W'][:, :16].T, cg['lin_scalar_W'][:, 16:].T,
           _kronC(cg['lin_vector2_W']), cg['gates_W'].T, r1(cg['gates_b']),
           _kronC(cg['act_vec_W']),
           _kronC(gg['lin_vector_W']), Wsng, Wssg]

    T = _tc_node(node_attr_compose_sca.astype(f32), nvf, pc8, ws1)
    G, Gq = _sc_gather(T, pq8, dst, src)
    O = _tc_edge(G, Gq, ws3)
    zs = jnp.zeros((_RPT, 64), f32)
    zv = jnp.zeros((_RPT, 48), f32)
    Ps = _sc_scatter_one(O, src, zs, 0, 64)
    Pv = _sc_scatter_one(O, src, zv, 64, 48)
    y16 = _tc_final(Ps[:, :_NQ], Pv[:, :_NQ], ws5)
    return y16[:, :13]

# --- scband reference (transcript-rebuilt; emitter-appended) ---
"""Pipeline reference for scband-spatial-classifier-vn-42279658062115 (READ-ONLY COPY).

The authoritative reference and input builder live on the scoring server;
editing this copy changes nothing except your own understanding.
"""

import jax, jax.numpy as jnp
import numpy as np

EPS = 1e-6
S0, V0, EC, F0, F1, NCLS = 128, 32, 16, 64, 16, 13
NQ, NCTX, E = 15000, 50000, 480000
CUTOFF = 10.0

def _w(k, shape, fan):
    return jax.random.normal(k, shape, dtype=jnp.float32) / np.sqrt(fan)

def _gvlin_params(key, in_s, in_v, out_s, out_v):
    dh = max(in_v, out_v)
    ks = jax.random.split(key, 4)
    return {'lin_vector_W': _w(ks[0], (dh, in_v), in_v),
            'lin_vector2_W': _w(ks[1], (out_v, dh), dh),
            'gates_W': _w(ks[2], (out_v, out_s), out_s),
            'gates_b': jnp.zeros((out_v,), jnp.float32),
            'lin_scalar_W': _w(ks[3], (out_s, dh + in_s), dh + in_s)}

def _gvp_params(key, in_s, in_v, out_s, out_v):
    k1, k2 = jax.random.split(key)
    p = _gvlin_params(k1, in_s, in_v, out_s, out_v)
    p['act_vec_W'] = _w(k2, (out_v, out_v), out_v)
    return p

def _vnlin(x, W, b=None):
    y = jnp.einsum('ncd,oc->nod', x, W)
    if b is not None:
        y = y + b[None, :, None]
    return y

def _gvlin_fwd(sca, vec, p):
    inter = _vnlin(vec, p['lin_vector_W'])
    nrm = jnp.sqrt(jnp.sum(inter * inter, axis=-1) + 1e-12)
    out_s = jnp.concatenate([nrm, sca], axis=-1) @ p['lin_scalar_W'].T
    out_v = _vnlin(inter, p['lin_vector2_W'])
    gate = jax.nn.sigmoid(out_s @ p['gates_W'].T + p['gates_b'])[..., None]
    return out_s, gate * out_v

def _vnleaky(x, W, slope=0.2):
    d = _vnlin(x, W)
    dot = jnp.sum(x * d, axis=-1, keepdims=True)
    mask = (dot >= 0.).astype(x.dtype)
    dns = jnp.sum(d * d, axis=-1, keepdims=True)
    return slope * x + (1. - slope) * (mask * x + (1. - mask) * (x - (dot / (dns + EPS)) * d))

def _gvp_fwd(sca, vec, p):
    s, v = _gvlin_fwd(sca, vec, p)
    return jnp.where(s >= 0, s, 0.01 * s), _vnleaky(v, p['act_vec_W'])

def _forward(pos_query, pos_compose, node_sca, node_vec, params, edge_index):
    src, dst = edge_index[0], edge_index[1]
    vec_ij = pos_query[src] - pos_compose[dst]
    dist = jnp.sqrt(jnp.sum(vec_ij * vec_ij, axis=-1, keepdims=True) + 1e-12)
    offset = jnp.linspace(0., CUTOFF, EC)
    coeff = -0.5 / (offset[1] - offset[0]) ** 2
    edge_sca_feat = jnp.exp(coeff * (dist - offset[None, :]) ** 2)
    vnorm = vec_ij / (dist + 1e-7)
    edge_vec_feat = jnp.einsum('ed,c->ecd', vnorm, params['vec_exp_W'][:, 0])
    mp = params['msg']
    ns, nv = _gvlin_fwd(node_sca, node_vec, mp['node_gv'])
    ns_e, nv_e = ns[dst], nv[dst]
    es, ev = _gvp_fwd(edge_sca_feat, edge_vec_feat, mp['edge_gvp'])
    y_s = ns_e * (es @ mp['sca_W'].T + mp['sca_b'])
    y_nv = (es @ mp['e2n_W'].T + mp['e2n_b'])[..., None] * nv_e
    y_ev = (ns_e @ mp['n2e_W'].T + mp['n2e_b'])[..., None] * _vnlin(ev, mp['edge_vn_W'], mp['edge_vn_b'])
    o_s, o_v = _gvlin_fwd(y_s, y_nv + y_ev, mp['out_gv'])
    C = 0.5 * (jnp.cos(dist * jnp.pi / CUTOFF) + 1.0)
    C = C * (dist <= CUTOFF).astype(o_s.dtype)
    o_s = o_s * C
    o_v = o_v * C[..., None]
    agg_s = jnp.zeros((NQ, o_s.shape[1]), o_s.dtype).at[src].add(o_s)
    agg_v = jnp.zeros((NQ,) + o_v.shape[1:], o_v.dtype).at[src].add(o_v)
    cs, cv = _gvp_fwd(agg_s, agg_v, params['cls_gvp'])
    y_cls, _ = _gvlin_fwd(cs, cv, params['cls_gv'])
    return y_cls

def setup_inputs(seed: int = 0):
    key = jax.random.key(seed)
    ks = jax.random.split(key, 16)
    pos_query = jax.random.normal(ks[0], (NQ, 3), jnp.float32)
    pos_compose = jax.random.normal(ks[1], (NCTX, 3), jnp.float32)
    node_attr_compose_sca = jax.random.normal(ks[2], (NCTX, S0), jnp.float32)
    node_attr_compose_vec = jax.random.normal(ks[3], (NCTX, V0, 3), jnp.float32)
    edge_index = jnp.stack([jax.random.randint(ks[4], (E,), 0, NQ), jax.random.randint(ks[5], (E,), 0, NCTX)], axis=0)
    params = {'vec_exp_W': _w(ks[6], (EC, 1), 1),
              'msg': {'node_gv': _gvlin_params(ks[7], S0, V0, F0, F1),
                      'edge_gvp': _gvp_params(ks[8], EC, EC, EC, EC),
                      'sca_W': _w(ks[9], (F0, EC), EC), 'sca_b': jnp.zeros((F0,), jnp.float32),
                      'e2n_W': _w(ks[10], (F1, EC), EC), 'e2n_b': jnp.zeros((F1,), jnp.float32),
                      'n2e_W': _w(ks[11], (F1, F0), F0), 'n2e_b': jnp.zeros((F1,), jnp.float32),
                      'edge_vn_W': _w(ks[12], (F1, EC), EC), 'edge_vn_b': jnp.zeros((F1,), jnp.float32),
                      'out_gv': _gvlin_params(ks[13], F0, F1, F0, F1)},
              'cls_gvp': _gvp_params(ks[14], F0, F1, F0, F1),
              'cls_gv': _gvlin_params(ks[15], F0, F1, NCLS, 1)}
    return {'pos_query': pos_query, 'pos_compose': pos_compose, 'node_attr_compose_sca': node_attr_compose_sca, 'node_attr_compose_vec': node_attr_compose_vec, 'params': params, 'edge_index_q_cps_knn': edge_index}

def reference(pos_query, pos_compose, node_attr_compose_sca, node_attr_compose_vec, params, edge_index_q_cps_knn):
    return _forward(pos_query, pos_compose, node_attr_compose_sca, node_attr_compose_vec, params, edge_index_q_cps_knn)

if __name__ == "__main__":
    import jax
    _d = setup_inputs()
    print(jax.jit(kernel)(*tuple(_d.values())))

</pallas_src>

<mosaic_0001>
#map = affine_map<(d0, d1) -> (0, 0)>
#map1 = affine_map<(d0, d1) -> (0)>
#map2 = affine_map<(d0, d1) -> (0, 0, 0)>
module attributes {stable_mosaic.version = 14 : i64} {
  func.func @scatter_k(%arg0: i32, %arg1: i32, %arg2: memref<480000x128xf32, #tpu.memory_space<hbm>>, %arg3: memref<480000xi32, #tpu.memory_space<hbm>>, %arg4: memref<960x64xf32, #tpu.memory_space<hbm>>, %arg5: memref<2x15360x64xf32, #tpu.memory_space<hbm>>, %arg6: memref<120xi32, #tpu.memory_space<vmem>>, %arg7: memref<120x64xf32, #tpu.memory_space<vmem>>, %arg8: memref<15360x64xf32, #tpu.memory_space<vmem_shared>>) attributes {dimension_semantics = [#tpu.dimension_semantics<core_parallel>, #tpu.dimension_semantics<subcore_parallel>], iteration_bounds = array<i64: 2, 16>, scalar_prefetch = 0 : i64, scratch_operands = 3 : i64, tpu.core_type = #tpu.core_type<sc_vector_subcore>, window_params = [{transform_indices = #map}, {transform_indices = #map1}, {transform_indices = #map}, {transform_indices = #map2}]} {
    %mul3A = arith.constant 2 : i32
    %mul3A_0 = arith.muli %arg1, %mul3A : i32
    %add3A = arith.addi %mul3A_0, %arg0 : i32
    %mul3A_1 = arith.constant 960 : i32
    %mul3A_2 = arith.muli %arg1, %mul3A_1 : i32
    "tpu.region"() ({
      %run_scoped3A = tpu.sem_alloc : memref<!tpu.dma_semaphore, #tpu.memory_space<semaphore_mem>>
      %dma_start3A = arith.constant 0 : i32
      %dma_start3A_9 = tpu.memref_slice %arg8[%mul3A_2, %dma_start3A] : memref<15360x64xf32, #tpu.memory_space<vmem_shared>> -> memref<960x64xf32, #tpu.memory_space<vmem_shared>>
      tpu.enqueue_dma source(%arg4 : memref<960x64xf32, #tpu.memory_space<hbm>>) target(%dma_start3A_9 : memref<960x64xf32, #tpu.memory_space<vmem_shared>>) target_semaphore(%run_scoped3A : memref<!tpu.dma_semaphore, #tpu.memory_space<semaphore_mem>>)
      %dma_wait3A = arith.constant 0 : i32
      %dma_wait3A_10 = tpu.memref_slice %arg8[%mul3A_2, %dma_wait3A] : memref<15360x64xf32, #tpu.memory_space<vmem_shared>> -> memref<960x64xf32, #tpu.memory_space<vmem_shared>>
      tpu.wait_dma2 semaphore(%run_scoped3A : memref<!tpu.dma_semaphore, #tpu.memory_space<semaphore_mem>>) src(%arg4 : memref<960x64xf32, #tpu.memory_space<hbm>>) dst(%dma_wait3A_10 : memref<960x64xf32, #tpu.memory_space<vmem_shared>>)
      tpu.yield
    }) : () -> ()
    %barrier3A = arith.constant 0 : index
    tpu.barrier barrier_id(%barrier3A)
    %scan3A = arith.constant 0 : i32
    %scan3A_3 = arith.constant 0 : i32
    %scan3A_4 = arith.constant 125 : i32
    %scan3A_5 = arith.addi %scan3A_3, %scan3A_4 : i32
    %scan3A_6 = arith.constant 1 : i32
    scf.for %scan3A_9 = %scan3A_3 to %scan3A_5 step %scan3A_6  : i32 {
      %mul3A_10 = arith.constant 15000 : i32
      %mul3A_11 = arith.muli %add3A, %mul3A_10 : i32
      %mul3A_12 = arith.constant 120 : i32
      %mul3A_13 = arith.muli %scan3A_9, %mul3A_12 : i32
      %add3A_14 = arith.addi %mul3A_11, %mul3A_13 : i32
      "tpu.region"() ({
        %run_scoped3A = tpu.sem_alloc : memref<!tpu.dma_semaphore, #tpu.memory_space<semaphore_mem>>
        %dma_start3A = tpu.memref_slice %arg3[%add3A_14] : memref<480000xi32, #tpu.memory_space<hbm>> -> memref<120xi32, #tpu.memory_space<hbm>>
        %dma_start3A_15 = tpu.memref_slice %arg3[%add3A_14] : memref<480000xi32, #tpu.memory_space<hbm>> -> memref<120xi32, #tpu.memory_space<hbm>>
        tpu.enqueue_dma source(%dma_start3A_15 : memref<120xi32, #tpu.memory_space<hbm>>) target(%arg6 : memref<120xi32, #tpu.memory_space<vmem>>) target_semaphore(%run_scoped3A : memref<!tpu.dma_semaphore, #tpu.memory_space<semaphore_mem>>)
        %dma_wait3A = tpu.memref_slice %arg3[%add3A_14] : memref<480000xi32, #tpu.memory_space<hbm>> -> memref<120xi32, #tpu.memory_space<hbm>>
        %dma_wait3A_16 = tpu.memref_slice %arg3[%add3A_14] : memref<480000xi32, #tpu.memory_space<hbm>> -> memref<120xi32, #tpu.memory_space<hbm>>
        tpu.wait_dma2 semaphore(%run_scoped3A : memref<!tpu.dma_semaphore, #tpu.memory_space<semaphore_mem>>) src(%dma_wait3A_16 : memref<120xi32, #tpu.memory_space<hbm>>) dst(%arg6 : memref<120xi32, #tpu.memory_space<vmem>>)
        tpu.yield
      }) : () -> ()
      "tpu.region"() ({
        %run_scoped3A = tpu.sem_alloc : memref<!tpu.dma_semaphore, #tpu.memory_space<semaphore_mem>>
        %dma_start3A = arith.constant 0 : i32
        %dma_start3A_15 = tpu.memref_slice %arg2[%add3A_14, %dma_start3A] : memref<480000x128xf32, #tpu.memory_space<hbm>> -> memref<120x64xf32, #tpu.memory_space<hbm>>
        %dma_start3A_16 = arith.constant 0 : i32
        %dma_start3A_17 = tpu.memref_slice %arg2[%add3A_14, %dma_start3A_16] : memref<480000x128xf32, #tpu.memory_space<hbm>> -> memref<120x64xf32, #tpu.memory_space<hbm>>
        tpu.enqueue_dma source(%dma_start3A_17 : memref<120x64xf32, #tpu.memory_space<hbm>>) target(%arg7 : memref<120x64xf32, #tpu.memory_space<vmem>>) target_semaphore(%run_scoped3A : memref<!tpu.dma_semaphore, #tpu.memory_space<semaphore_mem>>)
        %dma_wait3A = arith.constant 0 : i32
        %dma_wait3A_18 = tpu.memref_slice %arg2[%add3A_14, %dma_wait3A] : memref<480000x128xf32, #tpu.memory_space<hbm>> -> memref<120x64xf32, #tpu.memory_space<hbm>>
        %dma_wait3A_19 = arith.constant 0 : i32
        %dma_wait3A_20 = tpu.memref_slice %arg2[%add3A_14, %dma_wait3A_19] : memref<480000x128xf32, #tpu.memory_space<hbm>> -> memref<120x64xf32, #tpu.memory_space<hbm>>
        tpu.wait_dma2 semaphore(%run_scoped3A : memref<!tpu.dma_semaphore, #tpu.memory_space<semaphore_mem>>) src(%dma_wait3A_20 : memref<120x64xf32, #tpu.memory_space<hbm>>) dst(%arg7 : memref<120x64xf32, #tpu.memory_space<vmem>>)
        tpu.yield
      }) : () -> ()
      "tpu.region"() ({
        %run_scoped3A = tpu.sem_alloc : memref<!tpu.dma_semaphore, #tpu.memory_space<semaphore_mem>>
        %dma_start3A = arith.constant 0 : i32
        %dma_start3A_15 = arith.constant 0 : i32
        %dma_start3A_16 = tpu.memref_slice %arg8[%dma_start3A, %dma_start3A_15] : memref<15360x64xf32, #tpu.memory_space<vmem_shared>> -> memref<15360x64xf32, #tpu.memory_space<vmem_shared>>
        tpu.enqueue_indirect_dma source(%arg7 : memref<120x64xf32, #tpu.memory_space<vmem>>) target(%dma_start3A_16 : memref<15360x64xf32, #tpu.memory_space<vmem_shared>>) offsets(%arg6 : memref<120xi32, #tpu.memory_space<vmem>>) semaphore(%run_scoped3A : memref<!tpu.dma_semaphore, #tpu.memory_space<semaphore_mem>>) {add = true}
        %dma_wait3A = arith.constant 0 : i32
        %dma_wait3A_17 = arith.constant 0 : i32
        %dma_wait3A_18 = tpu.memref_slice %arg8[%dma_wait3A, %dma_wait3A_17] : memref<15360x64xf32, #tpu.memory_space<vmem_shared>> -> memref<15360x64xf32, #tpu.memory_space<vmem_shared>>
        tpu.wait_indirect_dma semaphore(%run_scoped3A : memref<!tpu.dma_semaphore, #tpu.memory_space<semaphore_mem>>) src(%arg7 : memref<120x64xf32, #tpu.memory_space<vmem>>) dst(%dma_wait3A_18 : memref<15360x64xf32, #tpu.memory_space<vmem_shared>>)
        tpu.yield
      }) : () -> ()
    }
    %scan3A_7 = arith.constant 125 : i32
    %barrier3A_8 = arith.constant 0 : index
    tpu.barrier barrier_id(%barrier3A_8)
    "tpu.region"() ({
      %run_scoped3A = tpu.sem_alloc : memref<!tpu.dma_semaphore, #tpu.memory_space<semaphore_mem>>
      %dma_start3A = arith.constant 0 : i32
      %dma_start3A_9 = tpu.memref_slice %arg5[%arg0, %mul3A_2, %dma_start3A] : memref<2x15360x64xf32, #tpu.memory_space<hbm>> -> memref<1x960x64xf32, #tpu.memory_space<hbm>>
      %dma_start3A_10 = tpu.memref_squeeze %dma_start3A_9 : memref<1x960x64xf32, #tpu.memory_space<hbm>> -> memref<960x64xf32, #tpu.memory_space<hbm>>
      %dma_start3A_11 = arith.constant 0 : i32
      %dma_start3A_12 = tpu.memref_slice %arg8[%mul3A_2, %dma_start3A_11] : memref<15360x64xf32, #tpu.memory_space<vmem_shared>> -> memref<960x64xf32, #tpu.memory_space<vmem_shared>>
      tpu.enqueue_dma source(%dma_start3A_12 : memref<960x64xf32, #tpu.memory_space<vmem_shared>>) target(%dma_start3A_10 : memref<960x64xf32, #tpu.memory_space<hbm>>) target_semaphore(%run_scoped3A : memref<!tpu.dma_semaphore, #tpu.memory_space<semaphore_mem>>)
      %dma_wait3A = arith.constant 0 : i32
      %dma_wait3A_13 = tpu.memref_slice %arg5[%arg0, %mul3A_2, %dma_wait3A] : memref<2x15360x64xf32, #tpu.memory_space<hbm>> -> memref<1x960x64xf32, #tpu.memory_space<hbm>>
      %dma_wait3A_14 = tpu.memref_squeeze %dma_wait3A_13 : memref<1x960x64xf32, #tpu.memory_space<hbm>> -> memref<960x64xf32, #tpu.memory_space<hbm>>
      %dma_wait3A_15 = arith.constant 0 : i32
      %dma_wait3A_16 = tpu.memref_slice %arg8[%mul3A_2, %dma_wait3A_15] : memref<15360x64xf32, #tpu.memory_space<vmem_shared>> -> memref<960x64xf32, #tpu.memory_space<vmem_shared>>
      tpu.wait_dma2 semaphore(%run_scoped3A : memref<!tpu.dma_semaphore, #tpu.memory_space<semaphore_mem>>) src(%dma_wait3A_16 : memref<960x64xf32, #tpu.memory_space<vmem_shared>>) dst(%dma_wait3A_14 : memref<960x64xf32, #tpu.memory_space<hbm>>)
      tpu.yield
    }) : () -> ()
    return
  }
}

#map = affine_map<(d0, d1) -> (0, 0)>
#map1 = affine_map<(d0, d1) -> (0)>
#map2 = affine_map<(d0, d1) -> (0, 0, 0)>
module attributes {stable_mosaic.version = 14 : i64} {
  func.func @scatter_k(%arg0: i32, %arg1: i32, %arg2: memref<480000x128xf32, #tpu.memory_space<hbm>>, %arg3: memref<480000xi32, #tpu.memory_space<hbm>>, %arg4: memref<960x48xf32, #tpu.memory_space<hbm>>, %arg5: memref<2x15360x48xf32, #tpu.memory_space<hbm>>, %arg6: memref<120xi32, #tpu.memory_space<vmem>>, %arg7: memref<120x48xf32, #tpu.memory_space<vmem>>, %arg8: memref<15360x48xf32, #tpu.memory_space<vmem_shared>>) attributes {dimension_semantics = [#tpu.dimension_semantics<core_parallel>, #tpu.dimension_semantics<subcore_parallel>], iteration_bounds = array<i64: 2, 16>, scalar_prefetch = 0 : i64, scratch_operands = 3 : i64, tpu.core_type = #tpu.core_type<sc_vector_subcore>, window_params = [{transform_indices = #map}, {transform_indices = #map1}, {transform_indices = #map}, {transform_indices = #map2}]} {
    %mul3A = arith.constant 2 : i32
    %mul3A_0 = arith.muli %arg1, %mul3A : i32
    %add3A = arith.addi %mul3A_0, %arg0 : i32
    %mul3A_1 = arith.constant 960 : i32
    %mul3A_2 = arith.muli %arg1, %mul3A_1 : i32
    "tpu.region"() ({
      %run_scoped3A = tpu.sem_alloc : memref<!tpu.dma_semaphore, #tpu.memory_space<semaphore_mem>>
      %dma_start3A = arith.constant 0 : i32
      %dma_start3A_9 = tpu.memref_slice %arg8[%mul3A_2, %dma_start3A] : memref<15360x48xf32, #tpu.memory_space<vmem_shared>> -> memref<960x48xf32, #tpu.memory_space<vmem_shared>>
      tpu.enqueue_dma source(%arg4 : memref<960x48xf32, #tpu.memory_space<hbm>>) target(%dma_start3A_9 : memref<960x48xf32, #tpu.memory_space<vmem_shared>>) target_semaphore(%run_scoped3A : memref<!tpu.dma_semaphore, #tpu.memory_space<semaphore_mem>>)
      %dma_wait3A = arith.constant 0 : i32
      %dma_wait3A_10 = tpu.memref_slice %arg8[%mul3A_2, %dma_wait3A] : memref<15360x48xf32, #tpu.memory_space<vmem_shared>> -> memref<960x48xf32, #tpu.memory_space<vmem_shared>>
      tpu.wait_dma2 semaphore(%run_scoped3A : memref<!tpu.dma_semaphore, #tpu.memory_space<semaphore_mem>>) src(%arg4 : memref<960x48xf32, #tpu.memory_space<hbm>>) dst(%dma_wait3A_10 : memref<960x48xf32, #tpu.memory_space<vmem_shared>>)
      tpu.yield
    }) : () -> ()
    %barrier3A = arith.constant 0 : index
    tpu.barrier barrier_id(%barrier3A)
    %scan3A = arith.constant 0 : i32
    %scan3A_3 = arith.constant 0 : i32
    %scan3A_4 = arith.constant 125 : i32
    %scan3A_5 = arith.addi %scan3A_3, %scan3A_4 : i32
    %scan3A_6 = arith.constant 1 : i32
    scf.for %scan3A_9 = %scan3A_3 to %scan3A_5 step %scan3A_6  : i32 {
      %mul3A_10 = arith.constant 15000 : i32
      %mul3A_11 = arith.muli %add3A, %mul3A_10 : i32
      %mul3A_12 = arith.constant 120 : i32
      %mul3A_13 = arith.muli %scan3A_9, %mul3A_12 : i32
      %add3A_14 = arith.addi %mul3A_11, %mul3A_13 : i32
      "tpu.region"() ({
        %run_scoped3A = tpu.sem_alloc : memref<!tpu.dma_semaphore, #tpu.memory_space<semaphore_mem>>
        %dma_start3A = tpu.memref_slice %arg3[%add3A_14] : memref<480000xi32, #tpu.memory_space<hbm>> -> memref<120xi32, #tpu.memory_space<hbm>>
        %dma_start3A_15 = tpu.memref_slice %arg3[%add3A_14] : memref<480000xi32, #tpu.memory_space<hbm>> -> memref<120xi32, #tpu.memory_space<hbm>>
        tpu.enqueue_dma source(%dma_start3A_15 : memref<120xi32, #tpu.memory_space<hbm>>) target(%arg6 : memref<120xi32, #tpu.memory_space<vmem>>) target_semaphore(%run_scoped3A : memref<!tpu.dma_semaphore, #tpu.memory_space<semaphore_mem>>)
        %dma_wait3A = tpu.memref_slice %arg3[%add3A_14] : memref<480000xi32, #tpu.memory_space<hbm>> -> memref<120xi32, #tpu.memory_space<hbm>>
        %dma_wait3A_16 = tpu.memref_slice %arg3[%add3A_14] : memref<480000xi32, #tpu.memory_space<hbm>> -> memref<120xi32, #tpu.memory_space<hbm>>
        tpu.wait_dma2 semaphore(%run_scoped3A : memref<!tpu.dma_semaphore, #tpu.memory_space<semaphore_mem>>) src(%dma_wait3A_16 : memref<120xi32, #tpu.memory_space<hbm>>) dst(%arg6 : memref<120xi32, #tpu.memory_space<vmem>>)
        tpu.yield
      }) : () -> ()
      "tpu.region"() ({
        %run_scoped3A = tpu.sem_alloc : memref<!tpu.dma_semaphore, #tpu.memory_space<semaphore_mem>>
        %dma_start3A = arith.constant 64 : i32
        %dma_start3A_15 = tpu.memref_slice %arg2[%add3A_14, %dma_start3A] : memref<480000x128xf32, #tpu.memory_space<hbm>> -> memref<120x48xf32, #tpu.memory_space<hbm>>
        %dma_start3A_16 = arith.constant 64 : i32
        %dma_start3A_17 = tpu.memref_slice %arg2[%add3A_14, %dma_start3A_16] : memref<480000x128xf32, #tpu.memory_space<hbm>> -> memref<120x48xf32, #tpu.memory_space<hbm>>
        tpu.enqueue_dma source(%dma_start3A_17 : memref<120x48xf32, #tpu.memory_space<hbm>>) target(%arg7 : memref<120x48xf32, #tpu.memory_space<vmem>>) target_semaphore(%run_scoped3A : memref<!tpu.dma_semaphore, #tpu.memory_space<semaphore_mem>>)
        %dma_wait3A = arith.constant 64 : i32
        %dma_wait3A_18 = tpu.memref_slice %arg2[%add3A_14, %dma_wait3A] : memref<480000x128xf32, #tpu.memory_space<hbm>> -> memref<120x48xf32, #tpu.memory_space<hbm>>
        %dma_wait3A_19 = arith.constant 64 : i32
        %dma_wait3A_20 = tpu.memref_slice %arg2[%add3A_14, %dma_wait3A_19] : memref<480000x128xf32, #tpu.memory_space<hbm>> -> memref<120x48xf32, #tpu.memory_space<hbm>>
        tpu.wait_dma2 semaphore(%run_scoped3A : memref<!tpu.dma_semaphore, #tpu.memory_space<semaphore_mem>>) src(%dma_wait3A_20 : memref<120x48xf32, #tpu.memory_space<hbm>>) dst(%arg7 : memref<120x48xf32, #tpu.memory_space<vmem>>)
        tpu.yield
      }) : () -> ()
      "tpu.region"() ({
        %run_scoped3A = tpu.sem_alloc : memref<!tpu.dma_semaphore, #tpu.memory_space<semaphore_mem>>
        %dma_start3A = arith.constant 0 : i32
        %dma_start3A_15 = arith.constant 0 : i32
        %dma_start3A_16 = tpu.memref_slice %arg8[%dma_start3A, %dma_start3A_15] : memref<15360x48xf32, #tpu.memory_space<vmem_shared>> -> memref<15360x48xf32, #tpu.memory_space<vmem_shared>>
        tpu.enqueue_indirect_dma source(%arg7 : memref<120x48xf32, #tpu.memory_space<vmem>>) target(%dma_start3A_16 : memref<15360x48xf32, #tpu.memory_space<vmem_shared>>) offsets(%arg6 : memref<120xi32, #tpu.memory_space<vmem>>) semaphore(%run_scoped3A : memref<!tpu.dma_semaphore, #tpu.memory_space<semaphore_mem>>) {add = true}
        %dma_wait3A = arith.constant 0 : i32
        %dma_wait3A_17 = arith.constant 0 : i32
        %dma_wait3A_18 = tpu.memref_slice %arg8[%dma_wait3A, %dma_wait3A_17] : memref<15360x48xf32, #tpu.memory_space<vmem_shared>> -> memref<15360x48xf32, #tpu.memory_space<vmem_shared>>
        tpu.wait_indirect_dma semaphore(%run_scoped3A : memref<!tpu.dma_semaphore, #tpu.memory_space<semaphore_mem>>) src(%arg7 : memref<120x48xf32, #tpu.memory_space<vmem>>) dst(%dma_wait3A_18 : memref<15360x48xf32, #tpu.memory_space<vmem_shared>>)
        tpu.yield
      }) : () -> ()
    }
    %scan3A_7 = arith.constant 125 : i32
    %barrier3A_8 = arith.constant 0 : index
    tpu.barrier barrier_id(%barrier3A_8)
    "tpu.region"() ({
      %run_scoped3A = tpu.sem_alloc : memref<!tpu.dma_semaphore, #tpu.memory_space<semaphore_mem>>
      %dma_start3A = arith.constant 0 : i32
      %dma_start3A_9 = tpu.memref_slice %arg5[%arg0, %mul3A_2, %dma_start3A] : memref<2x15360x48xf32, #tpu.memory_space<hbm>> -> memref<1x960x48xf32, #tpu.memory_space<hbm>>
      %dma_start3A_10 = tpu.memref_squeeze %dma_start3A_9 : memref<1x960x48xf32, #tpu.memory_space<hbm>> -> memref<960x48xf32, #tpu.memory_space<hbm>>
      %dma_start3A_11 = arith.constant 0 : i32
      %dma_start3A_12 = tpu.memref_slice %arg8[%mul3A_2, %dma_start3A_11] : memref<15360x48xf32, #tpu.memory_space<vmem_shared>> -> memref<960x48xf32, #tpu.memory_space<vmem_shared>>
      tpu.enqueue_dma source(%dma_start3A_12 : memref<960x48xf32, #tpu.memory_space<vmem_shared>>) target(%dma_start3A_10 : memref<960x48xf32, #tpu.memory_space<hbm>>) target_semaphore(%run_scoped3A : memref<!tpu.dma_semaphore, #tpu.memory_space<semaphore_mem>>)
      %dma_wait3A = arith.constant 0 : i32
      %dma_wait3A_13 = tpu.memref_slice %arg5[%arg0, %mul3A_2, %dma_wait3A] : memref<2x15360x48xf32, #tpu.memory_space<hbm>> -> memref<1x960x48xf32, #tpu.memory_space<hbm>>
      %dma_wait3A_14 = tpu.memref_squeeze %dma_wait3A_13 : memref<1x960x48xf32, #tpu.memory_space<hbm>> -> memref<960x48xf32, #tpu.memory_space<hbm>>
      %dma_wait3A_15 = arith.constant 0 : i32
      %dma_wait3A_16 = tpu.memref_slice %arg8[%mul3A_2, %dma_wait3A_15] : memref<15360x48xf32, #tpu.memory_space<vmem_shared>> -> memref<960x48xf32, #tpu.memory_space<vmem_shared>>
      tpu.wait_dma2 semaphore(%run_scoped3A : memref<!tpu.dma_semaphore, #tpu.memory_space<semaphore_mem>>) src(%dma_wait3A_16 : memref<960x48xf32, #tpu.memory_space<vmem_shared>>) dst(%dma_wait3A_14 : memref<960x48xf32, #tpu.memory_space<hbm>>)
      tpu.yield
    }) : () -> ()
    return
  }
}

#map = affine_map<(d0, d1) -> (0, 0)>
#map1 = affine_map<(d0, d1) -> (0)>
module attributes {stable_mosaic.version = 14 : i64} {
  func.func @gather_k(%arg0: i32, %arg1: i32, %arg2: memref<50000x128xf32, #tpu.memory_space<hbm>>, %arg3: memref<15000x8xf32, #tpu.memory_space<hbm>>, %arg4: memref<480000xi32, #tpu.memory_space<hbm>>, %arg5: memref<480000xi32, #tpu.memory_space<hbm>>, %arg6: memref<480000x128xf32, #tpu.memory_space<hbm>>, %arg7: memref<480000x8xf32, #tpu.memory_space<hbm>>, %arg8: memref<120xi32, #tpu.memory_space<vmem>>, %arg9: memref<120xi32, #tpu.memory_space<vmem>>, %arg10: memref<120x128xf32, #tpu.memory_space<vmem>>, %arg11: memref<120x8xf32, #tpu.memory_space<vmem>>, %arg12: memref<!tpu.dma_semaphore, #tpu.memory_space<semaphore_mem>>, %arg13: memref<!tpu.dma_semaphore, #tpu.memory_space<semaphore_mem>>) attributes {dimension_semantics = [#tpu.dimension_semantics<core_parallel>, #tpu.dimension_semantics<subcore_parallel>], iteration_bounds = array<i64: 2, 16>, scalar_prefetch = 0 : i64, scratch_operands = 6 : i64, tpu.core_type = #tpu.core_type<sc_vector_subcore>, window_params = [{transform_indices = #map}, {transform_indices = #map}, {transform_indices = #map1}, {transform_indices = #map1}, {transform_indices = #map}, {transform_indices = #map}]} {
    %mul3A = arith.constant 2 : i32
    %mul3A_0 = arith.muli %arg1, %mul3A : i32
    %add3A = arith.addi %mul3A_0, %arg0 : i32
    %mul3A_1 = arith.constant 15000 : i32
    %mul3A_2 = arith.muli %add3A, %mul3A_1 : i32
    %scan3A = arith.constant 0 : i32
    %scan3A_3 = arith.constant 0 : i32
    %scan3A_4 = arith.constant 125 : i32
    %scan3A_5 = arith.addi %scan3A_3, %scan3A_4 : i32
    %scan3A_6 = arith.constant 1 : i32
    scf.for %scan3A_8 = %scan3A_3 to %scan3A_5 step %scan3A_6  : i32 {
      %mul3A_9 = arith.constant 120 : i32
      %mul3A_10 = arith.muli %scan3A_8, %mul3A_9 : i32
      %add3A_11 = arith.addi %mul3A_2, %mul3A_10 : i32
      "tpu.region"() ({
        %run_scoped3A = tpu.sem_alloc : memref<!tpu.dma_semaphore, #tpu.memory_space<semaphore_mem>>
        %dma_start3A_22 = tpu.memref_slice %arg4[%add3A_11] : memref<480000xi32, #tpu.memory_space<hbm>> -> memref<120xi32, #tpu.memory_space<hbm>>
        %dma_start3A_23 = tpu.memref_slice %arg4[%add3A_11] : memref<480000xi32, #tpu.memory_space<hbm>> -> memref<120xi32, #tpu.memory_space<hbm>>
        tpu.enqueue_dma source(%dma_start3A_23 : memref<120xi32, #tpu.memory_space<hbm>>) target(%arg8 : memref<120xi32, #tpu.memory_space<vmem>>) target_semaphore(%run_scoped3A : memref<!tpu.dma_semaphore, #tpu.memory_space<semaphore_mem>>)
        %dma_wait3A_24 = tpu.memref_slice %arg4[%add3A_11] : memref<480000xi32, #tpu.memory_space<hbm>> -> memref<120xi32, #tpu.memory_space<hbm>>
        %dma_wait3A_25 = tpu.memref_slice %arg4[%add3A_11] : memref<480000xi32, #tpu.memory_space<hbm>> -> memref<120xi32, #tpu.memory_space<hbm>>
        tpu.wait_dma2 semaphore(%run_scoped3A : memref<!tpu.dma_semaphore, #tpu.memory_space<semaphore_mem>>) src(%dma_wait3A_25 : memref<120xi32, #tpu.memory_space<hbm>>) dst(%arg8 : memref<120xi32, #tpu.memory_space<vmem>>)
        tpu.yield
      }) : () -> ()
      "tpu.region"() ({
        %run_scoped3A = tpu.sem_alloc : memref<!tpu.dma_semaphore, #tpu.memory_space<semaphore_mem>>
        %dma_start3A_22 = tpu.memref_slice %arg5[%add3A_11] : memref<480000xi32, #tpu.memory_space<hbm>> -> memref<120xi32, #tpu.memory_space<hbm>>
        %dma_start3A_23 = tpu.memref_slice %arg5[%add3A_11] : memref<480000xi32, #tpu.memory_space<hbm>> -> memref<120xi32, #tpu.memory_space<hbm>>
        tpu.enqueue_dma source(%dma_start3A_23 : memref<120xi32, #tpu.memory_space<hbm>>) target(%arg9 : memref<120xi32, #tpu.memory_space<vmem>>) target_semaphore(%run_scoped3A : memref<!tpu.dma_semaphore, #tpu.memory_space<semaphore_mem>>)
        %dma_wait3A_24 = tpu.memref_slice %arg5[%add3A_11] : memref<480000xi32, #tpu.memory_space<hbm>> -> memref<120xi32, #tpu.memory_space<hbm>>
        %dma_wait3A_25 = tpu.memref_slice %arg5[%add3A_11] : memref<480000xi32, #tpu.memory_space<hbm>> -> memref<120xi32, #tpu.memory_space<hbm>>
        tpu.wait_dma2 semaphore(%run_scoped3A : memref<!tpu.dma_semaphore, #tpu.memory_space<semaphore_mem>>) src(%dma_wait3A_25 : memref<120xi32, #tpu.memory_space<hbm>>) dst(%arg9 : memref<120xi32, #tpu.memory_space<vmem>>)
        tpu.yield
      }) : () -> ()
      %dma_start3A = arith.constant 0 : i32
      %dma_start3A_12 = arith.constant 0 : i32
      %dma_start3A_13 = tpu.memref_slice %arg2[%dma_start3A, %dma_start3A_12] : memref<50000x128xf32, #tpu.memory_space<hbm>> -> memref<50000x128xf32, #tpu.memory_space<hbm>>
      tpu.enqueue_indirect_dma source(%dma_start3A_13 : memref<50000x128xf32, #tpu.memory_space<hbm>>) target(%arg10 : memref<120x128xf32, #tpu.memory_space<vmem>>) offsets(%arg8 : memref<120xi32, #tpu.memory_space<vmem>>) semaphore(%arg12 : memref<!tpu.dma_semaphore, #tpu.memory_space<semaphore_mem>>)
      %dma_start3A_14 = arith.constant 0 : i32
      %dma_start3A_15 = arith.constant 0 : i32
      %dma_start3A_16 = tpu.memref_slice %arg3[%dma_start3A_14, %dma_start3A_15] : memref<15000x8xf32, #tpu.memory_space<hbm>> -> memref<15000x8xf32, #tpu.memory_space<hbm>>
      tpu.enqueue_indirect_dma source(%dma_start3A_16 : memref<15000x8xf32, #tpu.memory_space<hbm>>) target(%arg11 : memref<120x8xf32, #tpu.memory_space<vmem>>) offsets(%arg9 : memref<120xi32, #tpu.memory_space<vmem>>) semaphore(%arg13 : memref<!tpu.dma_semaphore, #tpu.memory_space<semaphore_mem>>)
      %dma_wait3A = arith.constant 0 : i32
      %dma_wait3A_17 = arith.constant 0 : i32
      %dma_wait3A_18 = tpu.memref_slice %arg2[%dma_wait3A, %dma_wait3A_17] : memref<50000x128xf32, #tpu.memory_space<hbm>> -> memref<50000x128xf32, #tpu.memory_space<hbm>>
      tpu.wait_indirect_dma semaphore(%arg12 : memref<!tpu.dma_semaphore, #tpu.memory_space<semaphore_mem>>) src(%dma_wait3A_18 : memref<50000x128xf32, #tpu.memory_space<hbm>>) dst(%arg10 : memref<120x128xf32, #tpu.memory_space<vmem>>)
      %dma_wait3A_19 = arith.constant 0 : i32
      %dma_wait3A_20 = arith.constant 0 : i32
      %dma_wait3A_21 = tpu.memref_slice %arg3[%dma_wait3A_19, %dma_wait3A_20] : memref<15000x8xf32, #tpu.memory_space<hbm>> -> memref<15000x8xf32, #tpu.memory_space<hbm>>
      tpu.wait_indirect_dma semaphore(%arg13 : memref<!tpu.dma_semaphore, #tpu.memory_space<semaphore_mem>>) src(%dma_wait3A_21 : memref<15000x8xf32, #tpu.memory_space<hbm>>) dst(%arg11 : memref<120x8xf32, #tpu.memory_space<vmem>>)
      "tpu.region"() ({
        %run_scoped3A = tpu.sem_alloc : memref<!tpu.dma_semaphore, #tpu.memory_space<semaphore_mem>>
        %dma_start3A_22 = arith.constant 0 : i32
        %dma_start3A_23 = tpu.memref_slice %arg6[%add3A_11, %dma_start3A_22] : memref<480000x128xf32, #tpu.memory_space<hbm>> -> memref<120x128xf32, #tpu.memory_space<hbm>>
        %dma_start3A_24 = arith.constant 0 : i32
        %dma_start3A_25 = tpu.memref_slice %arg6[%add3A_11, %dma_start3A_24] : memref<480000x128xf32, #tpu.memory_space<hbm>> -> memref<120x128xf32, #tpu.memory_space<hbm>>
        tpu.enqueue_dma source(%arg10 : memref<120x128xf32, #tpu.memory_space<vmem>>) target(%dma_start3A_25 : memref<120x128xf32, #tpu.memory_space<hbm>>) target_semaphore(%run_scoped3A : memref<!tpu.dma_semaphore, #tpu.memory_space<semaphore_mem>>)
        %dma_wait3A_26 = arith.constant 0 : i32
        %dma_wait3A_27 = tpu.memref_slice %arg6[%add3A_11, %dma_wait3A_26] : memref<480000x128xf32, #tpu.memory_space<hbm>> -> memref<120x128xf32, #tpu.memory_space<hbm>>
        %dma_wait3A_28 = arith.constant 0 : i32
        %dma_wait3A_29 = tpu.memref_slice %arg6[%add3A_11, %dma_wait3A_28] : memref<480000x128xf32, #tpu.memory_space<hbm>> -> memref<120x128xf32, #tpu.memory_space<hbm>>
        tpu.wait_dma2 semaphore(%run_scoped3A : memref<!tpu.dma_semaphore, #tpu.memory_space<semaphore_mem>>) src(%arg10 : memref<120x128xf32, #tpu.memory_space<vmem>>) dst(%dma_wait3A_29 : memref<120x128xf32, #tpu.memory_space<hbm>>)
        tpu.yield
      }) : () -> ()
      "tpu.region"() ({
        %run_scoped3A = tpu.sem_alloc : memref<!tpu.dma_semaphore, #tpu.memory_space<semaphore_mem>>
        %dma_start3A_22 = arith.constant 0 : i32
        %dma_start3A_23 = tpu.memref_slice %arg7[%add3A_11, %dma_start3A_22] : memref<480000x8xf32, #tpu.memory_space<hbm>> -> memref<120x8xf32, #tpu.memory_space<hbm>>
        %dma_start3A_24 = arith.constant 0 : i32
        %dma_start3A_25 = tpu.memref_slice %arg7[%add3A_11, %dma_start3A_24] : memref<480000x8xf32, #tpu.memory_space<hbm>> -> memref<120x8xf32, #tpu.memory_space<hbm>>
        tpu.enqueue_dma source(%arg11 : memref<120x8xf32, #tpu.memory_space<vmem>>) target(%dma_start3A_25 : memref<120x8xf32, #tpu.memory_space<hbm>>) target_semaphore(%run_scoped3A : memref<!tpu.dma_semaphore, #tpu.memory_space<semaphore_mem>>)
        %dma_wait3A_26 = arith.constant 0 : i32
        %dma_wait3A_27 = tpu.memref_slice %arg7[%add3A_11, %dma_wait3A_26] : memref<480000x8xf32, #tpu.memory_space<hbm>> -> memref<120x8xf32, #tpu.memory_space<hbm>>
        %dma_wait3A_28 = arith.constant 0 : i32
        %dma_wait3A_29 = tpu.memref_slice %arg7[%add3A_11, %dma_wait3A_28] : memref<480000x8xf32, #tpu.memory_space<hbm>> -> memref<120x8xf32, #tpu.memory_space<hbm>>
        tpu.wait_dma2 semaphore(%run_scoped3A : memref<!tpu.dma_semaphore, #tpu.memory_space<semaphore_mem>>) src(%arg11 : memref<120x8xf32, #tpu.memory_space<vmem>>) dst(%dma_wait3A_29 : memref<120x8xf32, #tpu.memory_space<hbm>>)
        tpu.yield
      }) : () -> ()
    }
    %scan3A_7 = arith.constant 125 : i32
    return
  }
}

module attributes {stable_mosaic.version = 14 : i64} {
  func.func @_node_body(%arg0: i32, %arg1: memref<2000x128xf32, #tpu.memory_space<vmem>>, %arg2: memref<2000x96xf32, #tpu.memory_space<vmem>>, %arg3: memref<2000x8xf32, #tpu.memory_space<vmem>>, %arg4: memref<96x96xf32, #tpu.memory_space<vmem>>, %arg5: memref<32x64xf32, #tpu.memory_space<vmem>>, %arg6: memref<128x64xf32, #tpu.memory_space<vmem>>, %arg7: memref<96x48xf32, #tpu.memory_space<vmem>>, %arg8: memref<64x16xf32, #tpu.memory_space<vmem>>, %arg9: memref<1x16xf32, #tpu.memory_space<vmem>>, %arg10: memref<2000x128xf32, #tpu.memory_space<vmem>>) attributes {dimension_semantics = [#tpu.dimension_semantics<arbitrary>], iteration_bounds = array<i64: 25>, scalar_prefetch = 0 : i64, scratch_operands = 0 : i64, tpu.core_type = #tpu.core_type<tc>, window_params = [{transform_indices = @transform_0, window_bounds = array<i64: 2000, 128>}, {transform_indices = @transform_1, window_bounds = array<i64: 2000, 96>}, {transform_indices = @transform_2, window_bounds = array<i64: 2000, 8>}, {pipeline_mode = #tpu.pipeline_mode<synchronous>, transform_indices = @transform_3, window_bounds = array<i64: 96, 96>}, {pipeline_mode = #tpu.pipeline_mode<synchronous>, transform_indices = @transform_4, window_bounds = array<i64: 32, 64>}, {pipeline_mode = #tpu.pipeline_mode<synchronous>, transform_indices = @transform_5, window_bounds = array<i64: 128, 64>}, {pipeline_mode = #tpu.pipeline_mode<synchronous>, transform_indices = @transform_6, window_bounds = array<i64: 96, 48>}, {pipeline_mode = #tpu.pipeline_mode<synchronous>, transform_indices = @transform_7, window_bounds = array<i64: 64, 16>}, {pipeline_mode = #tpu.pipeline_mode<synchronous>, transform_indices = @transform_8, window_bounds = array<i64: 1, 16>}, {transform_indices = @transform_9, window_bounds = array<i64: 2000, 128>}]} {
    %get3A = arith.constant 0 : index
    %get3A_0 = arith.constant 0 : index
    %get3A_1 = vector.load %arg2[%get3A, %get3A_0] : memref<2000x96xf32, #tpu.memory_space<vmem>>, vector<2000x96xf32>
    %get3A_2 = arith.constant 0 : index
    %get3A_3 = arith.constant 0 : index
    %get3A_4 = vector.load %arg4[%get3A_2, %get3A_3] : memref<96x96xf32, #tpu.memory_space<vmem>>, vector<96x96xf32>
    %dot_general3A = arith.constant dense<0.000000e+00> : vector<2000x96xf32>
    %dot_general3A_5 = tpu.matmul %get3A_1, %get3A_4, %dot_general3A {dimension_numbers = #tpu.dot_dimension_numbers<[1], [0], [0], [1], [0, 0, 1, 1], [], []>, transpose_lhs_hint = false} : vector<2000x96xf32>, vector<96x96xf32>, vector<2000x96xf32> -> vector<2000x96xf32>
    %mul3A = arith.mulf %dot_general3A_5, %dot_general3A_5 : vector<2000x96xf32>
    %slice3A = vector.extract_strided_slice %mul3A {offsets = [0, 0], sizes = [2000, 32], strides = [1, 1]} : vector<2000x96xf32> to vector<2000x32xf32>
    %slice3A_6 = vector.extract_strided_slice %mul3A {offsets = [0, 32], sizes = [2000, 32], strides = [1, 1]} : vector<2000x96xf32> to vector<2000x32xf32>
    %add3A = arith.addf %slice3A, %slice3A_6 : vector<2000x32xf32>
    %slice3A_7 = vector.extract_strided_slice %mul3A {offsets = [0, 64], sizes = [2000, 32], strides = [1, 1]} : vector<2000x96xf32> to vector<2000x32xf32>
    %add3A_8 = arith.addf %add3A, %slice3A_7 : vector<2000x32xf32>
    %add3A_9 = arith.constant 9.99999996E-13 : f32
    %add3A_10 = vector.broadcast %add3A_9 : f32 to vector<2000x32xf32>
    %add3A_11 = arith.addf %add3A_8, %add3A_10 : vector<2000x32xf32>
    %sqrt3A = math.sqrt %add3A_11 : vector<2000x32xf32>
    %get3A_12 = arith.constant 0 : index
    %get3A_13 = arith.constant 0 : index
    %get3A_14 = vector.load %arg5[%get3A_12, %get3A_13] : memref<32x64xf32, #tpu.memory_space<vmem>>, vector<32x64xf32>
    %dot_general3A_15 = arith.constant dense<0.000000e+00> : vector<2000x64xf32>
    %dot_general3A_16 = tpu.matmul %sqrt3A, %get3A_14, %dot_general3A_15 {dimension_numbers = #tpu.dot_dimension_numbers<[1], [0], [0], [1], [0, 0, 1, 1], [], []>, transpose_lhs_hint = false} : vector<2000x32xf32>, vector<32x64xf32>, vector<2000x64xf32> -> vector<2000x64xf32>
    %get3A_17 = arith.constant 0 : index
    %get3A_18 = arith.constant 0 : index
    %get3A_19 = vector.load %arg1[%get3A_17, %get3A_18] : memref<2000x128xf32, #tpu.memory_space<vmem>>, vector<2000x128xf32>
    %get3A_20 = arith.constant 0 : index
    %get3A_21 = arith.constant 0 : index
    %get3A_22 = vector.load %arg6[%get3A_20, %get3A_21] : memref<128x64xf32, #tpu.memory_space<vmem>>, vector<128x64xf32>
    %dot_general3A_23 = arith.constant dense<0.000000e+00> : vector<2000x64xf32>
    %dot_general3A_24 = tpu.matmul %get3A_19, %get3A_22, %dot_general3A_23 {dimension_numbers = #tpu.dot_dimension_numbers<[1], [0], [0], [1], [0, 0, 1, 1], [], []>, transpose_lhs_hint = false} : vector<2000x128xf32>, vector<128x64xf32>, vector<2000x64xf32> -> vector<2000x64xf32>
    %add3A_25 = arith.addf %dot_general3A_16, %dot_general3A_24 : vector<2000x64xf32>
    %get3A_26 = arith.constant 0 : index
    %get3A_27 = arith.constant 0 : index
    %get3A_28 = vector.load %arg7[%get3A_26, %get3A_27] : memref<96x48xf32, #tpu.memory_space<vmem>>, vector<96x48xf32>
    %dot_general3A_29 = arith.constant dense<0.000000e+00> : vector<2000x48xf32>
    %dot_general3A_30 = tpu.matmul %dot_general3A_5, %get3A_28, %dot_general3A_29 {dimension_numbers = #tpu.dot_dimension_numbers<[1], [0], [0], [1], [0, 0, 1, 1], [], []>, transpose_lhs_hint = false} : vector<2000x96xf32>, vector<96x48xf32>, vector<2000x48xf32> -> vector<2000x48xf32>
    %get3A_31 = arith.constant 0 : index
    %get3A_32 = arith.constant 0 : index
    %get3A_33 = vector.load %arg8[%get3A_31, %get3A_32] : memref<64x16xf32, #tpu.memory_space<vmem>>, vector<64x16xf32>
    %dot_general3A_34 = arith.constant dense<0.000000e+00> : vector<2000x16xf32>
    %dot_general3A_35 = tpu.matmul %add3A_25, %get3A_33, %dot_general3A_34 {dimension_numbers = #tpu.dot_dimension_numbers<[1], [0], [0], [1], [0, 0, 1, 1], [], []>, transpose_lhs_hint = false} : vector<2000x64xf32>, vector<64x16xf32>, vector<2000x16xf32> -> vector<2000x16xf32>
    %get3A_36 = arith.constant 0 : index
    %get3A_37 = arith.constant 0 : index
    %get3A_38 = vector.load %arg9[%get3A_36, %get3A_37] : memref<1x16xf32, #tpu.memory_space<vmem>>, vector<1x16xf32>
    %add3A_39 = vector.broadcast %get3A_38 : vector<1x16xf32> to vector<2000x16xf32>
    %add3A_40 = arith.addf %dot_general3A_35, %add3A_39 : vector<2000x16xf32>
    %logistic3A = arith.negf %add3A_40 : vector<2000x16xf32>
    %logistic3A_41 = math.exp %logistic3A : vector<2000x16xf32>
    %logistic3A_42 = arith.constant 1.000000e+00 : f32
    %logistic3A_43 = vector.broadcast %logistic3A_42 : f32 to vector<2000x16xf32>
    %logistic3A_44 = arith.addf %logistic3A_43, %logistic3A_41 : vector<2000x16xf32>
    %logistic3A_45 = arith.divf %logistic3A_43, %logistic3A_44 : vector<2000x16xf32>
    %concatenate3A = tpu.concatenate %logistic3A_45, %logistic3A_45, %logistic3A_45 in 1 : vector<2000x16xf32>, vector<2000x16xf32>, vector<2000x16xf32> -> vector<2000x48xf32>
    %mul3A_46 = arith.mulf %dot_general3A_30, %concatenate3A : vector<2000x48xf32>
    %broadcast_in_dim3A = arith.constant 0.000000e+00 : f32
    %broadcast_in_dim3A_47 = vector.broadcast %broadcast_in_dim3A : f32 to vector<2000x8xf32>
    %get3A_48 = arith.constant 0 : index
    %get3A_49 = arith.constant 0 : index
    %get3A_50 = vector.load %arg3[%get3A_48, %get3A_49] : memref<2000x8xf32, #tpu.memory_space<vmem>>, vector<2000x8xf32>
    %concatenate3A_51 = tpu.concatenate %add3A_25, %mul3A_46, %get3A_50, %broadcast_in_dim3A_47 in 1 : vector<2000x64xf32>, vector<2000x48xf32>, vector<2000x8xf32>, vector<2000x8xf32> -> vector<2000x128xf32>
    %swap3A = arith.constant 0 : index
    %swap3A_52 = arith.constant 0 : index
    %swap3A_53 = vector.load %arg10[%swap3A, %swap3A_52] : memref<2000x128xf32, #tpu.memory_space<vmem>>, vector<2000x128xf32>
    tpu.vector_store %arg10[%swap3A, %swap3A_52], %concatenate3A_51 {strides = array<i32>} : memref<2000x128xf32, #tpu.memory_space<vmem>>, vector<2000x128xf32>,
    return
  }
  func.func @transform_0(%arg0: i32) -> (i32, i32) {
    %c0_i32 = arith.constant 0 : i32
    %c0_i32_0 = arith.constant 0 : i32
    return %arg0, %c0_i32 : i32, i32
  }
  func.func @transform_1(%arg0: i32) -> (i32, i32) {
    %c0_i32 = arith.constant 0 : i32
    %c0_i32_0 = arith.constant 0 : i32
    return %arg0, %c0_i32 : i32, i32
  }
  func.func @transform_2(%arg0: i32) -> (i32, i32) {
    %c0_i32 = arith.constant 0 : i32
    %c0_i32_0 = arith.constant 0 : i32
    return %arg0, %c0_i32 : i32, i32
  }
  func.func @transform_3(%arg0: i32) -> (i32, i32) {
    %c0_i32 = arith.constant 0 : i32
    %c0_i32_0 = arith.constant 0 : i32
    %c0_i32_1 = arith.constant 0 : i32
    return %c0_i32, %c0_i32_0 : i32, i32
  }
  func.func @transform_4(%arg0: i32) -> (i32, i32) {
    %c0_i32 = arith.constant 0 : i32
    %c0_i32_0 = arith.constant 0 : i32
    %c0_i32_1 = arith.constant 0 : i32
    return %c0_i32, %c0_i32_0 : i32, i32
  }
  func.func @transform_5(%arg0: i32) -> (i32, i32) {
    %c0_i32 = arith.constant 0 : i32
    %c0_i32_0 = arith.constant 0 : i32
    %c0_i32_1 = arith.constant 0 : i32
    return %c0_i32, %c0_i32_0 : i32, i32
  }
  func.func @transform_6(%arg0: i32) -> (i32, i32) {
    %c0_i32 = arith.constant 0 : i32
    %c0_i32_0 = arith.constant 0 : i32
    %c0_i32_1 = arith.constant 0 : i32
    return %c0_i32, %c0_i32_0 : i32, i32
  }
  func.func @transform_7(%arg0: i32) -> (i32, i32) {
    %c0_i32 = arith.constant 0 : i32
    %c0_i32_0 = arith.constant 0 : i32
    %c0_i32_1 = arith.constant 0 : i32
    return %c0_i32, %c0_i32_0 : i32, i32
  }
  func.func @transform_8(%arg0: i32) -> (i32, i32) {
    %c0_i32 = arith.constant 0 : i32
    %c0_i32_0 = arith.constant 0 : i32
    %c0_i32_1 = arith.constant 0 : i32
    return %c0_i32, %c0_i32_0 : i32, i32
  }
  func.func @transform_9(%arg0: i32) -> (i32, i32) {
    %c0_i32 = arith.constant 0 : i32
    %c0_i32_0 = arith.constant 0 : i32
    return %arg0, %c0_i32 : i32, i32
  }
}

module attributes {stable_mosaic.version = 14 : i64} {
  func.func @_edge_body(%arg0: i32, %arg1: memref<2000x128xf32, #tpu.memory_space<vmem>>, %arg2: memref<2000x8xf32, #tpu.memory_space<vmem>>, %arg3: memref<1x16xf32, #tpu.memory_space<vmem>>, %arg4: memref<1x16xf32, #tpu.memory_space<vmem>>, %arg5: memref<48x48xf32, #tpu.memory_space<vmem>>, %arg6: memref<16x16xf32, #tpu.memory_space<vmem>>, %arg7: memref<16x16xf32, #tpu.memory_space<vmem>>, %arg8: memref<48x48xf32, #tpu.memory_space<vmem>>, %arg9: memref<16x16xf32, #tpu.memory_space<vmem>>, %arg10: memref<1x16xf32, #tpu.memory_space<vmem>>, %arg11: memref<48x48xf32, #tpu.memory_space<vmem>>, %arg12: memref<16x64xf32, #tpu.memory_space<vmem>>, %arg13: memref<1x64xf32, #tpu.memory_space<vmem>>, %arg14: memref<16x16xf32, #tpu.memory_space<vmem>>, %arg15: memref<1x16xf32, #tpu.memory_space<vmem>>, %arg16: memref<64x16xf32, #tpu.memory_space<vmem>>, %arg17: memref<1x16xf32, #tpu.memory_space<vmem>>, %arg18: memref<48x48xf32, #tpu.memory_space<vmem>>, %arg19: memref<1x48xf32, #tpu.memory_space<vmem>>, %arg20: memref<48x48xf32, #tpu.memory_space<vmem>>, %arg21: memref<16x64xf32, #tpu.memory_space<vmem>>, %arg22: memref<64x64xf32, #tpu.memory_space<vmem>>, %arg23: memref<48x48xf32, #tpu.memory_space<vmem>>, %arg24: memref<64x16xf32, #tpu.memory_space<vmem>>, %arg25: memref<1x16xf32, #tpu.memory_space<vmem>>, %arg26: memref<2000x128xf32, #tpu.memory_space<vmem>>) attributes {dimension_semantics = [#tpu.dimension_semantics<arbitrary>], iteration_bounds = array<i64: 240>, scalar_prefetch = 0 : i64, scratch_operands = 0 : i64, tpu.core_type = #tpu.core_type<tc>, window_params = [{transform_indices = @transform_0, window_bounds = array<i64: 2000, 128>}, {transform_indices = @transform_1, window_bounds = array<i64: 2000, 8>}, {pipeline_mode = #tpu.pipeline_mode<synchronous>, transform_indices = @transform_2, window_bounds = array<i64: 1, 16>}, {pipeline_mode = #tpu.pipeline_mode<synchronous>, transform_indices = @transform_3, window_bounds = array<i64: 1, 16>}, {pipeline_mode = #tpu.pipeline_mode<synchronous>, transform_indices = @transform_4, window_bounds = array<i64: 48, 48>}, {pipeline_mode = #tpu.pipeline_mode<synchronous>, transform_indices = @transform_5, window_bounds = array<i64: 16, 16>}, {pipeline_mode = #tpu.pipeline_mode<synchronous>, transform_indices = @transform_6, window_bounds = array<i64: 16, 16>}, {pipeline_mode = #tpu.pipeline_mode<synchronous>, transform_indices = @transform_7, window_bounds = array<i64: 48, 48>}, {pipeline_mode = #tpu.pipeline_mode<synchronous>, transform_indices = @transform_8, window_bounds = array<i64: 16, 16>}, {pipeline_mode = #tpu.pipeline_mode<synchronous>, transform_indices = @transform_9, window_bounds = array<i64: 1, 16>}, {pipeline_mode = #tpu.pipeline_mode<synchronous>, transform_indices = @transform_10, window_bounds = array<i64: 48, 48>}, {pipeline_mode = #tpu.pipeline_mode<synchronous>, transform_indices = @transform_11, window_bounds = array<i64: 16, 64>}, {pipeline_mode = #tpu.pipeline_mode<synchronous>, transform_indices = @transform_12, window_bounds = array<i64: 1, 64>}, {pipeline_mode = #tpu.pipeline_mode<synchronous>, transform_indices = @transform_13, window_bounds = array<i64: 16, 16>}, {pipeline_mode = #tpu.pipeline_mode<synchronous>, transform_indices = @transform_14, window_bounds = array<i64: 1, 16>}, {pipeline_mode = #tpu.pipeline_mode<synchronous>, transform_indices = @transform_15, window_bounds = array<i64: 64, 16>}, {pipeline_mode = #tpu.pipeline_mode<synchronous>, transform_indices = @transform_16, window_bounds = array<i64: 1, 16>}, {pipeline_mode = #tpu.pipeline_mode<synchronous>, transform_indices = @transform_17, window_bounds = array<i64: 48, 48>}, {pipeline_mode = #tpu.pipeline_mode<synchronous>, transform_indices = @transform_18, window_bounds = array<i64: 1, 48>}, {pipeline_mode = #tpu.pipeline_mode<synchronous>, transform_indices = @transform_19, window_bounds = array<i64: 48, 48>}, {pipeline_mode = #tpu.pipeline_mode<synchronous>, transform_indices = @transform_20, window_bounds = array<i64: 16, 64>}, {pipeline_mode = #tpu.pipeline_mode<synchronous>, transform_indices = @transform_21, window_bounds = array<i64: 64, 64>}, {pipeline_mode = #tpu.pipeline_mode<synchronous>, transform_indices = @transform_22, window_bounds = array<i64: 48, 48>}, {pipeline_mode = #tpu.pipeline_mode<synchronous>, transform_indices = @transform_23, window_bounds = array<i64: 64, 16>}, {pipeline_mode = #tpu.pipeline_mode<synchronous>, transform_indices = @transform_24, window_bounds = array<i64: 1, 16>}, {transform_indices = @transform_25, window_bounds = array<i64: 2000, 128>}]} {
    %get3A = arith.constant 0 : index
    %get3A_0 = arith.constant 0 : index
    %get3A_1 = vector.load %arg1[%get3A, %get3A_0] : memref<2000x128xf32, #tpu.memory_space<vmem>>, vector<2000x64xf32>
    %get3A_2 = arith.constant 0 : index
    %get3A_3 = arith.constant 64 : index
    %get3A_4 = vector.load %arg1[%get3A_2, %get3A_3] : memref<2000x128xf32, #tpu.memory_space<vmem>>, vector<2000x48xf32>
    %get3A_5 = arith.constant 0 : index
    %get3A_6 = arith.constant 112 : index
    %get3A_7 = vector.load %arg1[%get3A_5, %get3A_6] : memref<2000x128xf32, #tpu.memory_space<vmem>>, vector<2000x8xf32>
    %get3A_8 = arith.constant 0 : index
    %get3A_9 = arith.constant 0 : index
    %get3A_10 = vector.load %arg2[%get3A_8, %get3A_9] : memref<2000x8xf32, #tpu.memory_space<vmem>>, vector<2000x8xf32>
    %sub3A = arith.subf %get3A_10, %get3A_7 : vector<2000x8xf32>
    %mul3A = arith.mulf %sub3A, %sub3A : vector<2000x8xf32>
    %reduce_sum3A = arith.constant dense<0.000000e+00> : vector<2000xf32>
    %reduce_sum3A_11 = vector.multi_reduction <add>, %mul3A, %reduce_sum3A [1] : vector<2000x8xf32> to vector<2000xf32>
    %broadcast_in_dim3A = vector.shape_cast %reduce_sum3A_11 : vector<2000xf32> to vector<2000x1xf32>
    %add3A = arith.constant 9.99999996E-13 : f32
    %add3A_12 = vector.broadcast %add3A : f32 to vector<2000x1xf32>
    %add3A_13 = arith.addf %broadcast_in_dim3A, %add3A_12 : vector<2000x1xf32>
    %sqrt3A = math.sqrt %add3A_13 : vector<2000x1xf32>
    %get3A_14 = arith.constant 0 : index
    %get3A_15 = arith.constant 0 : index
    %get3A_16 = vector.load %arg3[%get3A_14, %get3A_15] : memref<1x16xf32, #tpu.memory_space<vmem>>, vector<1x16xf32>
    %sub3A_17 = vector.broadcast %sqrt3A : vector<2000x1xf32> to vector<2000x16xf32>
    %sub3A_18 = vector.broadcast %get3A_16 : vector<1x16xf32> to vector<2000x16xf32>
    %sub3A_19 = arith.subf %sub3A_17, %sub3A_18 : vector<2000x16xf32>
    %integer_pow3A = arith.mulf %sub3A_19, %sub3A_19 : vector<2000x16xf32>
    %mul3A_20 = arith.constant -1.125000e+00 : f32
    %mul3A_21 = vector.broadcast %mul3A_20 : f32 to vector<2000x16xf32>
    %mul3A_22 = arith.mulf %mul3A_21, %integer_pow3A : vector<2000x16xf32>
    %exp3A = math.exp %mul3A_22 : vector<2000x16xf32>
    %add3A_23 = arith.constant 1.000000e-07 : f32
    %add3A_24 = vector.broadcast %add3A_23 : f32 to vector<2000x1xf32>
    %add3A_25 = arith.addf %sqrt3A, %add3A_24 : vector<2000x1xf32>
    %div3A = vector.broadcast %add3A_25 : vector<2000x1xf32> to vector<2000x8xf32>
    %div3A_26 = arith.divf %sub3A, %div3A : vector<2000x8xf32>
    %slice3A = vector.extract_strided_slice %div3A_26 {offsets = [0, 0], sizes = [2000, 1], strides = [1, 1]} : vector<2000x8xf32> to vector<2000x1xf32>
    %get3A_27 = arith.constant 0 : index
    %get3A_28 = arith.constant 0 : index
    %get3A_29 = vector.load %arg4[%get3A_27, %get3A_28] : memref<1x16xf32, #tpu.memory_space<vmem>>, vector<1x16xf32>
    %mul3A_30 = vector.broadcast %slice3A : vector<2000x1xf32> to vector<2000x16xf32>
    %mul3A_31 = vector.broadcast %get3A_29 : vector<1x16xf32> to vector<2000x16xf32>
    %mul3A_32 = arith.mulf %mul3A_30, %mul3A_31 : vector<2000x16xf32>
    %slice3A_33 = vector.extract_strided_slice %div3A_26 {offsets = [0, 1], sizes = [2000, 1], strides = [1, 1]} : vector<2000x8xf32> to vector<2000x1xf32>
    %get3A_34 = arith.constant 0 : index
    %get3A_35 = arith.constant 0 : index
    %get3A_36 = vector.load %arg4[%get3A_34, %get3A_35] : memref<1x16xf32, #tpu.memory_space<vmem>>, vector<1x16xf32>
    %mul3A_37 = vector.broadcast %slice3A_33 : vector<2000x1xf32> to vector<2000x16xf32>
    %mul3A_38 = vector.broadcast %get3A_36 : vector<1x16xf32> to vector<2000x16xf32>
    %mul3A_39 = arith.mulf %mul3A_37, %mul3A_38 : vector<2000x16xf32>
    %slice3A_40 = vector.extract_strided_slice %div3A_26 {offsets = [0, 2], sizes = [2000, 1], strides = [1, 1]} : vector<2000x8xf32> to vector<2000x1xf32>
    %get3A_41 = arith.constant 0 : index
    %get3A_42 = arith.constant 0 : index
    %get3A_43 = vector.load %arg4[%get3A_41, %get3A_42] : memref<1x16xf32, #tpu.memory_space<vmem>>, vector<1x16xf32>
    %mul3A_44 = vector.broadcast %slice3A_40 : vector<2000x1xf32> to vector<2000x16xf32>
    %mul3A_45 = vector.broadcast %get3A_43 : vector<1x16xf32> to vector<2000x16xf32>
    %mul3A_46 = arith.mulf %mul3A_44, %mul3A_45 : vector<2000x16xf32>
    %concatenate3A = tpu.concatenate %mul3A_32, %mul3A_39, %mul3A_46 in 1 : vector<2000x16xf32>, vector<2000x16xf32>, vector<2000x16xf32> -> vector<2000x48xf32>
    %get3A_47 = arith.constant 0 : index
    %get3A_48 = arith.constant 0 : index
    %get3A_49 = vector.load %arg5[%get3A_47, %get3A_48] : memref<48x48xf32, #tpu.memory_space<vmem>>, vector<48x48xf32>
    %dot_general3A = arith.constant dense<0.000000e+00> : vector<2000x48xf32>
    %dot_general3A_50 = tpu.matmul %concatenate3A, %get3A_49, %dot_general3A {dimension_numbers = #tpu.dot_dimension_numbers<[1], [0], [0], [1], [0, 0, 1, 1], [], []>, transpose_lhs_hint = false} : vector<2000x48xf32>, vector<48x48xf32>, vector<2000x48xf32> -> vector<2000x48xf32>
    %mul3A_51 = arith.mulf %dot_general3A_50, %dot_general3A_50 : vector<2000x48xf32>
    %slice3A_52 = vector.extract_strided_slice %mul3A_51 {offsets = [0, 0], sizes = [2000, 16], strides = [1, 1]} : vector<2000x48xf32> to vector<2000x16xf32>
    %slice3A_53 = vector.extract_strided_slice %mul3A_51 {offsets = [0, 16], sizes = [2000, 16], strides = [1, 1]} : vector<2000x48xf32> to vector<2000x16xf32>
    %add3A_54 = arith.addf %slice3A_52, %slice3A_53 : vector<2000x16xf32>
    %slice3A_55 = vector.extract_strided_slice %mul3A_51 {offsets = [0, 32], sizes = [2000, 16], strides = [1, 1]} : vector<2000x48xf32> to vector<2000x16xf32>
    %add3A_56 = arith.addf %add3A_54, %slice3A_55 : vector<2000x16xf32>
    %add3A_57 = arith.constant 9.99999996E-13 : f32
    %add3A_58 = vector.broadcast %add3A_57 : f32 to vector<2000x16xf32>
    %add3A_59 = arith.addf %add3A_56, %add3A_58 : vector<2000x16xf32>
    %sqrt3A_60 = math.sqrt %add3A_59 : vector<2000x16xf32>
    %get3A_61 = arith.constant 0 : index
    %get3A_62 = arith.constant 0 : index
    %get3A_63 = vector.load %arg6[%get3A_61, %get3A_62] : memref<16x16xf32, #tpu.memory_space<vmem>>, vector<16x16xf32>
    %dot_general3A_64 = arith.constant dense<0.000000e+00> : vector<2000x16xf32>
    %dot_general3A_65 = tpu.matmul %sqrt3A_60, %get3A_63, %dot_general3A_64 {dimension_numbers = #tpu.dot_dimension_numbers<[1], [0], [0], [1], [0, 0, 1, 1], [], []>, transpose_lhs_hint = false} : vector<2000x16xf32>, vector<16x16xf32>, vector<2000x16xf32> -> vector<2000x16xf32>
    %get3A_66 = arith.constant 0 : index
    %get3A_67 = arith.constant 0 : index
    %get3A_68 = vector.load %arg7[%get3A_66, %get3A_67] : memref<16x16xf32, #tpu.memory_space<vmem>>, vector<16x16xf32>
    %dot_general3A_69 = arith.constant dense<0.000000e+00> : vector<2000x16xf32>
    %dot_general3A_70 = tpu.matmul %exp3A, %get3A_68, %dot_general3A_69 {dimension_numbers = #tpu.dot_dimension_numbers<[1], [0], [0], [1], [0, 0, 1, 1], [], []>, transpose_lhs_hint = false} : vector<2000x16xf32>, vector<16x16xf32>, vector<2000x16xf32> -> vector<2000x16xf32>
    %add3A_71 = arith.addf %dot_general3A_65, %dot_general3A_70 : vector<2000x16xf32>
    %get3A_72 = arith.constant 0 : index
    %get3A_73 = arith.constant 0 : index
    %get3A_74 = vector.load %arg8[%get3A_72, %get3A_73] : memref<48x48xf32, #tpu.memory_space<vmem>>, vector<48x48xf32>
    %dot_general3A_75 = arith.constant dense<0.000000e+00> : vector<2000x48xf32>
    %dot_general3A_76 = tpu.matmul %dot_general3A_50, %get3A_74, %dot_general3A_75 {dimension_numbers = #tpu.dot_dimension_numbers<[1], [0], [0], [1], [0, 0, 1, 1], [], []>, transpose_lhs_hint = false} : vector<2000x48xf32>, vector<48x48xf32>, vector<2000x48xf32> -> vector<2000x48xf32>
    %get3A_77 = arith.constant 0 : index
    %get3A_78 = arith.constant 0 : index
    %get3A_79 = vector.load %arg9[%get3A_77, %get3A_78] : memref<16x16xf32, #tpu.memory_space<vmem>>, vector<16x16xf32>
    %dot_general3A_80 = arith.constant dense<0.000000e+00> : vector<2000x16xf32>
    %dot_general3A_81 = tpu.matmul %add3A_71, %get3A_79, %dot_general3A_80 {dimension_numbers = #tpu.dot_dimension_numbers<[1], [0], [0], [1], [0, 0, 1, 1], [], []>, transpose_lhs_hint = false} : vector<2000x16xf32>, vector<16x16xf32>, vector<2000x16xf32> -> vector<2000x16xf32>
    %get3A_82 = arith.constant 0 : index
    %get3A_83 = arith.constant 0 : index
    %get3A_84 = vector.load %arg10[%get3A_82, %get3A_83] : memref<1x16xf32, #tpu.memory_space<vmem>>, vector<1x16xf32>
    %add3A_85 = vector.broadcast %get3A_84 : vector<1x16xf32> to vector<2000x16xf32>
    %add3A_86 = arith.addf %dot_general3A_81, %add3A_85 : vector<2000x16xf32>
    %logistic3A = arith.negf %add3A_86 : vector<2000x16xf32>
    %logistic3A_87 = math.exp %logistic3A : vector<2000x16xf32>
    %logistic3A_88 = arith.constant 1.000000e+00 : f32
    %logistic3A_89 = vector.broadcast %logistic3A_88 : f32 to vector<2000x16xf32>
    %logistic3A_90 = arith.addf %logistic3A_89, %logistic3A_87 : vector<2000x16xf32>
    %logistic3A_91 = arith.divf %logistic3A_89, %logistic3A_90 : vector<2000x16xf32>
    %concatenate3A_92 = tpu.concatenate %logistic3A_91, %logistic3A_91, %logistic3A_91 in 1 : vector<2000x16xf32>, vector<2000x16xf32>, vector<2000x16xf32> -> vector<2000x48xf32>
    %mul3A_93 = arith.mulf %dot_general3A_76, %concatenate3A_92 : vector<2000x48xf32>
    %ge3A = arith.constant 0.000000e+00 : f32
    %ge3A_94 = vector.broadcast %ge3A : f32 to vector<2000x16xf32>
    %ge3A_95 = arith.cmpf oge, %add3A_71, %ge3A_94 : vector<2000x16xf32>
    %mul3A_96 = arith.constant 0.00999999977 : f32
    %mul3A_97 = vector.broadcast %mul3A_96 : f32 to vector<2000x16xf32>
    %mul3A_98 = arith.mulf %mul3A_97, %add3A_71 : vector<2000x16xf32>
    %select_n3A = arith.select %ge3A_95, %add3A_71, %mul3A_98 : vector<2000x16xi1>, vector<2000x16xf32>
    %get3A_99 = arith.constant 0 : index
    %get3A_100 = arith.constant 0 : index
    %get3A_101 = vector.load %arg11[%get3A_99, %get3A_100] : memref<48x48xf32, #tpu.memory_space<vmem>>, vector<48x48xf32>
    %dot_general3A_102 = arith.constant dense<0.000000e+00> : vector<2000x48xf32>
    %dot_general3A_103 = tpu.matmul %mul3A_93, %get3A_101, %dot_general3A_102 {dimension_numbers = #tpu.dot_dimension_numbers<[1], [0], [0], [1], [0, 0, 1, 1], [], []>, transpose_lhs_hint = false} : vector<2000x48xf32>, vector<48x48xf32>, vector<2000x48xf32> -> vector<2000x48xf32>
    %mul3A_104 = arith.mulf %mul3A_93, %dot_general3A_103 : vector<2000x48xf32>
    %slice3A_105 = vector.extract_strided_slice %mul3A_104 {offsets = [0, 0], sizes = [2000, 16], strides = [1, 1]} : vector<2000x48xf32> to vector<2000x16xf32>
    %slice3A_106 = vector.extract_strided_slice %mul3A_104 {offsets = [0, 16], sizes = [2000, 16], strides = [1, 1]} : vector<2000x48xf32> to vector<2000x16xf32>
    %add3A_107 = arith.addf %slice3A_105, %slice3A_106 : vector<2000x16xf32>
    %slice3A_108 = vector.extract_strided_slice %mul3A_104 {offsets = [0, 32], sizes = [2000, 16], strides = [1, 1]} : vector<2000x48xf32> to vector<2000x16xf32>
    %add3A_109 = arith.addf %add3A_107, %slice3A_108 : vector<2000x16xf32>
    %mul3A_110 = arith.mulf %dot_general3A_103, %dot_general3A_103 : vector<2000x48xf32>
    %slice3A_111 = vector.extract_strided_slice %mul3A_110 {offsets = [0, 0], sizes = [2000, 16], strides = [1, 1]} : vector<2000x48xf32> to vector<2000x16xf32>
    %slice3A_112 = vector.extract_strided_slice %mul3A_110 {offsets = [0, 16], sizes = [2000, 16], strides = [1, 1]} : vector<2000x48xf32> to vector<2000x16xf32>
    %add3A_113 = arith.addf %slice3A_111, %slice3A_112 : vector<2000x16xf32>
    %slice3A_114 = vector.extract_strided_slice %mul3A_110 {offsets = [0, 32], sizes = [2000, 16], strides = [1, 1]} : vector<2000x48xf32> to vector<2000x16xf32>
    %add3A_115 = arith.addf %add3A_113, %slice3A_114 : vector<2000x16xf32>
    %ge3A_116 = arith.constant 0.000000e+00 : f32
    %ge3A_117 = vector.broadcast %ge3A_116 : f32 to vector<2000x16xf32>
    %ge3A_118 = arith.cmpf oge, %add3A_109, %ge3A_117 : vector<2000x16xf32>
    %convert_element_type3A = arith.extui %ge3A_118 : vector<2000x16xi1> to vector<2000x16xi32>
    %convert_element_type3A_119 = arith.sitofp %convert_element_type3A : vector<2000x16xi32> to vector<2000x16xf32>
    %add3A_120 = arith.constant 9.99999997E-7 : f32
    %add3A_121 = vector.broadcast %add3A_120 : f32 to vector<2000x16xf32>
    %add3A_122 = arith.addf %add3A_115, %add3A_121 : vector<2000x16xf32>
    %div3A_123 = arith.divf %add3A_109, %add3A_122 : vector<2000x16xf32>
    %concatenate3A_124 = tpu.concatenate %div3A_123, %div3A_123, %div3A_123 in 1 : vector<2000x16xf32>, vector<2000x16xf32>, vector<2000x16xf32> -> vector<2000x48xf32>
    %mul3A_125 = arith.mulf %concatenate3A_124, %dot_general3A_103 : vector<2000x48xf32>
    %sub3A_126 = arith.subf %mul3A_93, %mul3A_125 : vector<2000x48xf32>
    %mul3A_127 = arith.constant 2.000000e-01 : f32
    %mul3A_128 = vector.broadcast %mul3A_127 : f32 to vector<2000x48xf32>
    %mul3A_129 = arith.mulf %mul3A_128, %mul3A_93 : vector<2000x48xf32>
    %concatenate3A_130 = tpu.concatenate %convert_element_type3A_119, %convert_element_type3A_119, %convert_element_type3A_119 in 1 : vector<2000x16xf32>, vector<2000x16xf32>, vector<2000x16xf32> -> vector<2000x48xf32>
    %mul3A_131 = arith.mulf %concatenate3A_130, %mul3A_93 : vector<2000x48xf32>
    %sub3A_132 = arith.constant 1.000000e+00 : f32
    %sub3A_133 = vector.broadcast %sub3A_132 : f32 to vector<2000x16xf32>
    %sub3A_134 = arith.subf %sub3A_133, %convert_element_type3A_119 : vector<2000x16xf32>
    %concatenate3A_135 = tpu.concatenate %sub3A_134, %sub3A_134, %sub3A_134 in 1 : vector<2000x16xf32>, vector<2000x16xf32>, vector<2000x16xf32> -> vector<2000x48xf32>
    %mul3A_136 = arith.mulf %concatenate3A_135, %sub3A_126 : vector<2000x48xf32>
    %add3A_137 = arith.addf %mul3A_131, %mul3A_136 : vector<2000x48xf32>
    %mul3A_138 = arith.constant 8.000000e-01 : f32
    %mul3A_139 = vector.broadcast %mul3A_138 : f32 to vector<2000x48xf32>
    %mul3A_140 = arith.mulf %mul3A_139, %add3A_137 : vector<2000x48xf32>
    %add3A_141 = arith.addf %mul3A_129, %mul3A_140 : vector<2000x48xf32>
    %get3A_142 = arith.constant 0 : index
    %get3A_143 = arith.constant 0 : index
    %get3A_144 = vector.load %arg12[%get3A_142, %get3A_143] : memref<16x64xf32, #tpu.memory_space<vmem>>, vector<16x64xf32>
    %dot_general3A_145 = arith.constant dense<0.000000e+00> : vector<2000x64xf32>
    %dot_general3A_146 = tpu.matmul %select_n3A, %get3A_144, %dot_general3A_145 {dimension_numbers = #tpu.dot_dimension_numbers<[1], [0], [0], [1], [0, 0, 1, 1], [], []>, transpose_lhs_hint = false} : vector<2000x16xf32>, vector<16x64xf32>, vector<2000x64xf32> -> vector<2000x64xf32>
    %get3A_147 = arith.constant 0 : index
    %get3A_148 = arith.constant 0 : index
    %get3A_149 = vector.load %arg13[%get3A_147, %get3A_148] : memref<1x64xf32, #tpu.memory_space<vmem>>, vector<1x64xf32>
    %add3A_150 = vector.broadcast %get3A_149 : vector<1x64xf32> to vector<2000x64xf32>
    %add3A_151 = arith.addf %dot_general3A_146, %add3A_150 : vector<2000x64xf32>
    %mul3A_152 = arith.mulf %get3A_1, %add3A_151 : vector<2000x64xf32>
    %get3A_153 = arith.constant 0 : index
    %get3A_154 = arith.constant 0 : index
    %get3A_155 = vector.load %arg14[%get3A_153, %get3A_154] : memref<16x16xf32, #tpu.memory_space<vmem>>, vector<16x16xf32>
    %dot_general3A_156 = arith.constant dense<0.000000e+00> : vector<2000x16xf32>
    %dot_general3A_157 = tpu.matmul %select_n3A, %get3A_155, %dot_general3A_156 {dimension_numbers = #tpu.dot_dimension_numbers<[1], [0], [0], [1], [0, 0, 1, 1], [], []>, transpose_lhs_hint = false} : vector<2000x16xf32>, vector<16x16xf32>, vector<2000x16xf32> -> vector<2000x16xf32>
    %get3A_158 = arith.constant 0 : index
    %get3A_159 = arith.constant 0 : index
    %get3A_160 = vector.load %arg15[%get3A_158, %get3A_159] : memref<1x16xf32, #tpu.memory_space<vmem>>, vector<1x16xf32>
    %add3A_161 = vector.broadcast %get3A_160 : vector<1x16xf32> to vector<2000x16xf32>
    %add3A_162 = arith.addf %dot_general3A_157, %add3A_161 : vector<2000x16xf32>
    %concatenate3A_163 = tpu.concatenate %add3A_162, %add3A_162, %add3A_162 in 1 : vector<2000x16xf32>, vector<2000x16xf32>, vector<2000x16xf32> -> vector<2000x48xf32>
    %mul3A_164 = arith.mulf %concatenate3A_163, %get3A_4 : vector<2000x48xf32>
    %get3A_165 = arith.constant 0 : index
    %get3A_166 = arith.constant 0 : index
    %get3A_167 = vector.load %arg16[%get3A_165, %get3A_166] : memref<64x16xf32, #tpu.memory_space<vmem>>, vector<64x16xf32>
    %dot_general3A_168 = arith.constant dense<0.000000e+00> : vector<2000x16xf32>
    %dot_general3A_169 = tpu.matmul %get3A_1, %get3A_167, %dot_general3A_168 {dimension_numbers = #tpu.dot_dimension_numbers<[1], [0], [0], [1], [0, 0, 1, 1], [], []>, transpose_lhs_hint = false} : vector<2000x64xf32>, vector<64x16xf32>, vector<2000x16xf32> -> vector<2000x16xf32>
    %get3A_170 = arith.constant 0 : index
    %get3A_171 = arith.constant 0 : index
    %get3A_172 = vector.load %arg17[%get3A_170, %get3A_171] : memref<1x16xf32, #tpu.memory_space<vmem>>, vector<1x16xf32>
    %add3A_173 = vector.broadcast %get3A_172 : vector<1x16xf32> to vector<2000x16xf32>
    %add3A_174 = arith.addf %dot_general3A_169, %add3A_173 : vector<2000x16xf32>
    %concatenate3A_175 = tpu.concatenate %add3A_174, %add3A_174, %add3A_174 in 1 : vector<2000x16xf32>, vector<2000x16xf32>, vector<2000x16xf32> -> vector<2000x48xf32>
    %get3A_176 = arith.constant 0 : index
    %get3A_177 = arith.constant 0 : index
    %get3A_178 = vector.load %arg18[%get3A_176, %get3A_177] : memref<48x48xf32, #tpu.memory_space<vmem>>, vector<48x48xf32>
    %dot_general3A_179 = arith.constant dense<0.000000e+00> : vector<2000x48xf32>
    %dot_general3A_180 = tpu.matmul %add3A_141, %get3A_178, %dot_general3A_179 {dimension_numbers = #tpu.dot_dimension_numbers<[1], [0], [0], [1], [0, 0, 1, 1], [], []>, transpose_lhs_hint = false} : vector<2000x48xf32>, vector<48x48xf32>, vector<2000x48xf32> -> vector<2000x48xf32>
    %get3A_181 = arith.constant 0 : index
    %get3A_182 = arith.constant 0 : index
    %get3A_183 = vector.load %arg19[%get3A_181, %get3A_182] : memref<1x48xf32, #tpu.memory_space<vmem>>, vector<1x48xf32>
    %add3A_184 = vector.broadcast %get3A_183 : vector<1x48xf32> to vector<2000x48xf32>
    %add3A_185 = arith.addf %dot_general3A_180, %add3A_184 : vector<2000x48xf32>
    %mul3A_186 = arith.mulf %concatenate3A_175, %add3A_185 : vector<2000x48xf32>
    %add3A_187 = arith.addf %mul3A_164, %mul3A_186 : vector<2000x48xf32>
    %get3A_188 = arith.constant 0 : index
    %get3A_189 = arith.constant 0 : index
    %get3A_190 = vector.load %arg20[%get3A_188, %get3A_189] : memref<48x48xf32, #tpu.memory_space<vmem>>, vector<48x48xf32>
    %dot_general3A_191 = arith.constant dense<0.000000e+00> : vector<2000x48xf32>
    %dot_general3A_192 = tpu.matmul %add3A_187, %get3A_190, %dot_general3A_191 {dimension_numbers = #tpu.dot_dimension_numbers<[1], [0], [0], [1], [0, 0, 1, 1], [], []>, transpose_lhs_hint = false} : vector<2000x48xf32>, vector<48x48xf32>, vector<2000x48xf32> -> vector<2000x48xf32>
    %mul3A_193 = arith.mulf %dot_general3A_192, %dot_general3A_192 : vector<2000x48xf32>
    %slice3A_194 = vector.extract_strided_slice %mul3A_193 {offsets = [0, 0], sizes = [2000, 16], strides = [1, 1]} : vector<2000x48xf32> to vector<2000x16xf32>
    %slice3A_195 = vector.extract_strided_slice %mul3A_193 {offsets = [0, 16], sizes = [2000, 16], strides = [1, 1]} : vector<2000x48xf32> to vector<2000x16xf32>
    %add3A_196 = arith.addf %slice3A_194, %slice3A_195 : vector<2000x16xf32>
    %slice3A_197 = vector.extract_strided_slice %mul3A_193 {offsets = [0, 32], sizes = [2000, 16], strides = [1, 1]} : vector<2000x48xf32> to vector<2000x16xf32>
    %add3A_198 = arith.addf %add3A_196, %slice3A_197 : vector<2000x16xf32>
    %add3A_199 = arith.constant 9.99999996E-13 : f32
    %add3A_200 = vector.broadcast %add3A_199 : f32 to vector<2000x16xf32>
    %add3A_201 = arith.addf %add3A_198, %add3A_200 : vector<2000x16xf32>
    %sqrt3A_202 = math.sqrt %add3A_201 : vector<2000x16xf32>
    %get3A_203 = arith.constant 0 : index
    %get3A_204 = arith.constant 0 : index
    %get3A_205 = vector.load %arg21[%get3A_203, %get3A_204] : memref<16x64xf32, #tpu.memory_space<vmem>>, vector<16x64xf32>
    %dot_general3A_206 = arith.constant dense<0.000000e+00> : vector<2000x64xf32>
    %dot_general3A_207 = tpu.matmul %sqrt3A_202, %get3A_205, %dot_general3A_206 {dimension_numbers = #tpu.dot_dimension_numbers<[1], [0], [0], [1], [0, 0, 1, 1], [], []>, transpose_lhs_hint = false} : vector<2000x16xf32>, vector<16x64xf32>, vector<2000x64xf32> -> vector<2000x64xf32>
    %get3A_208 = arith.constant 0 : index
    %get3A_209 = arith.constant 0 : index
    %get3A_210 = vector.load %arg22[%get3A_208, %get3A_209] : memref<64x64xf32, #tpu.memory_space<vmem>>, vector<64x64xf32>
    %dot_general3A_211 = arith.constant dense<0.000000e+00> : vector<2000x64xf32>
    %dot_general3A_212 = tpu.matmul %mul3A_152, %get3A_210, %dot_general3A_211 {dimension_numbers = #tpu.dot_dimension_numbers<[1], [0], [0], [1], [0, 0, 1, 1], [], []>, transpose_lhs_hint = false} : vector<2000x64xf32>, vector<64x64xf32>, vector<2000x64xf32> -> vector<2000x64xf32>
    %add3A_213 = arith.addf %dot_general3A_207, %dot_general3A_212 : vector<2000x64xf32>
    %get3A_214 = arith.constant 0 : index
    %get3A_215 = arith.constant 0 : index
    %get3A_216 = vector.load %arg23[%get3A_214, %get3A_215] : memref<48x48xf32, #tpu.memory_space<vmem>>, vector<48x48xf32>
    %dot_general3A_217 = arith.constant dense<0.000000e+00> : vector<2000x48xf32>
    %dot_general3A_218 = tpu.matmul %dot_general3A_192, %get3A_216, %dot_general3A_217 {dimension_numbers = #tpu.dot_dimension_numbers<[1], [0], [0], [1], [0, 0, 1, 1], [], []>, transpose_lhs_hint = false} : vector<2000x48xf32>, vector<48x48xf32>, vector<2000x48xf32> -> vector<2000x48xf32>
    %get3A_219 = arith.constant 0 : index
    %get3A_220 = arith.constant 0 : index
    %get3A_221 = vector.load %arg24[%get3A_219, %get3A_220] : memref<64x16xf32, #tpu.memory_space<vmem>>, vector<64x16xf32>
    %dot_general3A_222 = arith.constant dense<0.000000e+00> : vector<2000x16xf32>
    %dot_general3A_223 = tpu.matmul %add3A_213, %get3A_221, %dot_general3A_222 {dimension_numbers = #tpu.dot_dimension_numbers<[1], [0], [0], [1], [0, 0, 1, 1], [], []>, transpose_lhs_hint = false} : vector<2000x64xf32>, vector<64x16xf32>, vector<2000x16xf32> -> vector<2000x16xf32>
    %get3A_224 = arith.constant 0 : index
    %get3A_225 = arith.constant 0 : index
    %get3A_226 = vector.load %arg25[%get3A_224, %get3A_225] : memref<1x16xf32, #tpu.memory_space<vmem>>, vector<1x16xf32>
    %add3A_227 = vector.broadcast %get3A_226 : vector<1x16xf32> to vector<2000x16xf32>
    %add3A_228 = arith.addf %dot_general3A_223, %add3A_227 : vector<2000x16xf32>
    %logistic3A_229 = arith.negf %add3A_228 : vector<2000x16xf32>
    %logistic3A_230 = math.exp %logistic3A_229 : vector<2000x16xf32>
    %logistic3A_231 = arith.constant 1.000000e+00 : f32
    %logistic3A_232 = vector.broadcast %logistic3A_231 : f32 to vector<2000x16xf32>
    %logistic3A_233 = arith.addf %logistic3A_232, %logistic3A_230 : vector<2000x16xf32>
    %logistic3A_234 = arith.divf %logistic3A_232, %logistic3A_233 : vector<2000x16xf32>
    %concatenate3A_235 = tpu.concatenate %logistic3A_234, %logistic3A_234, %logistic3A_234 in 1 : vector<2000x16xf32>, vector<2000x16xf32>, vector<2000x16xf32> -> vector<2000x48xf32>
    %mul3A_236 = arith.mulf %dot_general3A_218, %concatenate3A_235 : vector<2000x48xf32>
    %mul3A_237 = arith.constant 0.314159274 : f32
    %mul3A_238 = vector.broadcast %mul3A_237 : f32 to vector<2000x1xf32>
    %mul3A_239 = arith.mulf %sqrt3A, %mul3A_238 : vector<2000x1xf32>
    %cos3A = math.cos %mul3A_239 : vector<2000x1xf32>
    %add3A_240 = arith.constant 1.000000e+00 : f32
    %add3A_241 = vector.broadcast %add3A_240 : f32 to vector<2000x1xf32>
    %add3A_242 = arith.addf %cos3A, %add3A_241 : vector<2000x1xf32>
    %mul3A_243 = arith.constant 5.000000e-01 : f32
    %mul3A_244 = vector.broadcast %mul3A_243 : f32 to vector<2000x1xf32>
    %mul3A_245 = arith.mulf %mul3A_244, %add3A_242 : vector<2000x1xf32>
    %le3A = arith.constant 1.000000e+01 : f32
    %le3A_246 = vector.broadcast %le3A : f32 to vector<2000x1xf32>
    %le3A_247 = arith.cmpf ole, %sqrt3A, %le3A_246 : vector<2000x1xf32>
    %convert_element_type3A_248 = arith.extui %le3A_247 : vector<2000x1xi1> to vector<2000x1xi32>
    %convert_element_type3A_249 = arith.sitofp %convert_element_type3A_248 : vector<2000x1xi32> to vector<2000x1xf32>
    %mul3A_250 = arith.mulf %mul3A_245, %convert_element_type3A_249 : vector<2000x1xf32>
    %broadcast_in_dim3A_251 = arith.constant 0.000000e+00 : f32
    %broadcast_in_dim3A_252 = vector.broadcast %broadcast_in_dim3A_251 : f32 to vector<2000x16xf32>
    %mul3A_253 = vector.broadcast %mul3A_250 : vector<2000x1xf32> to vector<2000x64xf32>
    %mul3A_254 = arith.mulf %add3A_213, %mul3A_253 : vector<2000x64xf32>
    %mul3A_255 = vector.broadcast %mul3A_250 : vector<2000x1xf32> to vector<2000x48xf32>
    %mul3A_256 = arith.mulf %mul3A_236, %mul3A_255 : vector<2000x48xf32>
    %concatenate3A_257 = tpu.concatenate %mul3A_254, %mul3A_256, %broadcast_in_dim3A_252 in 1 : vector<2000x64xf32>, vector<2000x48xf32>, vector<2000x16xf32> -> vector<2000x128xf32>
    %swap3A = arith.constant 0 : index
    %swap3A_258 = arith.constant 0 : index
    %swap3A_259 = vector.load %arg26[%swap3A, %swap3A_258] : memref<2000x128xf32, #tpu.memory_space<vmem>>, vector<2000x128xf32>
    tpu.vector_store %arg26[%swap3A, %swap3A_258], %concatenate3A_257 {strides = array<i32>} : memref<2000x128xf32, #tpu.memory_space<vmem>>, vector<2000x128xf32>,
    return
  }
  func.func @transform_0(%arg0: i32) -> (i32, i32) {
    %c0_i32 = arith.constant 0 : i32
    %c0_i32_0 = arith.constant 0 : i32
    return %arg0, %c0_i32 : i32, i32
  }
  func.func @transform_1(%arg0: i32) -> (i32, i32) {
    %c0_i32 = arith.constant 0 : i32
    %c0_i32_0 = arith.constant 0 : i32
    return %arg0, %c0_i32 : i32, i32
  }
  func.func @transform_2(%arg0: i32) -> (i32, i32) {
    %c0_i32 = arith.constant 0 : i32
    %c0_i32_0 = arith.constant 0 : i32
    %c0_i32_1 = arith.constant 0 : i32
    return %c0_i32, %c0_i32_0 : i32, i32
  }
  func.func @transform_3(%arg0: i32) -> (i32, i32) {
    %c0_i32 = arith.constant 0 : i32
    %c0_i32_0 = arith.constant 0 : i32
    %c0_i32_1 = arith.constant 0 : i32
    return %c0_i32, %c0_i32_0 : i32, i32
  }
  func.func @transform_4(%arg0: i32) -> (i32, i32) {
    %c0_i32 = arith.constant 0 : i32
    %c0_i32_0 = arith.constant 0 : i32
    %c0_i32_1 = arith.constant 0 : i32
    return %c0_i32, %c0_i32_0 : i32, i32
  }
  func.func @transform_5(%arg0: i32) -> (i32, i32) {
    %c0_i32 = arith.constant 0 : i32
    %c0_i32_0 = arith.constant 0 : i32
    %c0_i32_1 = arith.constant 0 : i32
    return %c0_i32, %c0_i32_0 : i32, i32
  }
  func.func @transform_6(%arg0: i32) -> (i32, i32) {
    %c0_i32 = arith.constant 0 : i32
    %c0_i32_0 = arith.constant 0 : i32
    %c0_i32_1 = arith.constant 0 : i32
    return %c0_i32, %c0_i32_0 : i32, i32
  }
  func.func @transform_7(%arg0: i32) -> (i32, i32) {
    %c0_i32 = arith.constant 0 : i32
    %c0_i32_0 = arith.constant 0 : i32
    %c0_i32_1 = arith.constant 0 : i32
    return %c0_i32, %c0_i32_0 : i32, i32
  }
  func.func @transform_8(%arg0: i32) -> (i32, i32) {
    %c0_i32 = arith.constant 0 : i32
    %c0_i32_0 = arith.constant 0 : i32
    %c0_i32_1 = arith.constant 0 : i32
    return %c0_i32, %c0_i32_0 : i32, i32
  }
  func.func @transform_9(%arg0: i32) -> (i32, i32) {
    %c0_i32 = arith.constant 0 : i32
    %c0_i32_0 = arith.constant 0 : i32
    %c0_i32_1 = arith.constant 0 : i32
    return %c0_i32, %c0_i32_0 : i32, i32
  }
  func.func @transform_10(%arg0: i32) -> (i32, i32) {
    %c0_i32 = arith.constant 0 : i32
    %c0_i32_0 = arith.constant 0 : i32
    %c0_i32_1 = arith.constant 0 : i32
    return %c0_i32, %c0_i32_0 : i32, i32
  }
  func.func @transform_11(%arg0: i32) -> (i32, i32) {
    %c0_i32 = arith.constant 0 : i32
    %c0_i32_0 = arith.constant 0 : i32
    %c0_i32_1 = arith.constant 0 : i32
    return %c0_i32, %c0_i32_0 : i32, i32
  }
  func.func @transform_12(%arg0: i32) -> (i32, i32) {
    %c0_i32 = arith.constant 0 : i32
    %c0_i32_0 = arith.constant 0 : i32
    %c0_i32_1 = arith.constant 0 : i32
    return %c0_i32, %c0_i32_0 : i32, i32
  }
  func.func @transform_13(%arg0: i32) -> (i32, i32) {
    %c0_i32 = arith.constant 0 : i32
    %c0_i32_0 = arith.constant 0 : i32
    %c0_i32_1 = arith.constant 0 : i32
    return %c0_i32, %c0_i32_0 : i32, i32
  }
  func.func @transform_14(%arg0: i32) -> (i32, i32) {
    %c0_i32 = arith.constant 0 : i32
    %c0_i32_0 = arith.constant 0 : i32
    %c0_i32_1 = arith.constant 0 : i32
    return %c0_i32, %c0_i32_0 : i32, i32
  }
  func.func @transform_15(%arg0: i32) -> (i32, i32) {
    %c0_i32 = arith.constant 0 : i32
    %c0_i32_0 = arith.constant 0 : i32
    %c0_i32_1 = arith.constant 0 : i32
    return %c0_i32, %c0_i32_0 : i32, i32
  }
  func.func @transform_16(%arg0: i32) -> (i32, i32) {
    %c0_i32 = arith.constant 0 : i32
    %c0_i32_0 = arith.constant 0 : i32
    %c0_i32_1 = arith.constant 0 : i32
    return %c0_i32, %c0_i32_0 : i32, i32
  }
  func.func @transform_17(%arg0: i32) -> (i32, i32) {
    %c0_i32 = arith.constant 0 : i32
    %c0_i32_0 = arith.constant 0 : i32
    %c0_i32_1 = arith.constant 0 : i32
    return %c0_i32, %c0_i32_0 : i32, i32
  }
  func.func @transform_18(%arg0: i32) -> (i32, i32) {
    %c0_i32 = arith.constant 0 : i32
    %c0_i32_0 = arith.constant 0 : i32
    %c0_i32_1 = arith.constant 0 : i32
    return %c0_i32, %c0_i32_0 : i32, i32
  }
  func.func @transform_19(%arg0: i32) -> (i32, i32) {
    %c0_i32 = arith.constant 0 : i32
    %c0_i32_0 = arith.constant 0 : i32
    %c0_i32_1 = arith.constant 0 : i32
    return %c0_i32, %c0_i32_0 : i32, i32
  }
  func.func @transform_20(%arg0: i32) -> (i32, i32) {
    %c0_i32 = arith.constant 0 : i32
    %c0_i32_0 = arith.constant 0 : i32
    %c0_i32_1 = arith.constant 0 : i32
    return %c0_i32, %c0_i32_0 : i32, i32
  }
  func.func @transform_21(%arg0: i32) -> (i32, i32) {
    %c0_i32 = arith.constant 0 : i32
    %c0_i32_0 = arith.constant 0 : i32
    %c0_i32_1 = arith.constant 0 : i32
    return %c0_i32, %c0_i32_0 : i32, i32
  }
  func.func @transform_22(%arg0: i32) -> (i32, i32) {
    %c0_i32 = arith.constant 0 : i32
    %c0_i32_0 = arith.constant 0 : i32
    %c0_i32_1 = arith.constant 0 : i32
    return %c0_i32, %c0_i32_0 : i32, i32
  }
  func.func @transform_23(%arg0: i32) -> (i32, i32) {
    %c0_i32 = arith.constant 0 : i32
    %c0_i32_0 = arith.constant 0 : i32
    %c0_i32_1 = arith.constant 0 : i32
    return %c0_i32, %c0_i32_0 : i32, i32
  }
  func.func @transform_24(%arg0: i32) -> (i32, i32) {
    %c0_i32 = arith.constant 0 : i32
    %c0_i32_0 = arith.constant 0 : i32
    %c0_i32_1 = arith.constant 0 : i32
    return %c0_i32, %c0_i32_0 : i32, i32
  }
  func.func @transform_25(%arg0: i32) -> (i32, i32) {
    %c0_i32 = arith.constant 0 : i32
    %c0_i32_0 = arith.constant 0 : i32
    return %arg0, %c0_i32 : i32, i32
  }
}

module attributes {stable_mosaic.version = 14 : i64} {
  func.func @_final_body(%arg0: i32, %arg1: memref<2x1000x64xf32, #tpu.memory_space<vmem>>, %arg2: memref<2x1000x48xf32, #tpu.memory_space<vmem>>, %arg3: memref<48x48xf32, #tpu.memory_space<vmem>>, %arg4: memref<16x64xf32, #tpu.memory_space<vmem>>, %arg5: memref<64x64xf32, #tpu.memory_space<vmem>>, %arg6: memref<48x48xf32, #tpu.memory_space<vmem>>, %arg7: memref<64x16xf32, #tpu.memory_space<vmem>>, %arg8: memref<1x16xf32, #tpu.memory_space<vmem>>, %arg9: memref<48x48xf32, #tpu.memory_space<vmem>>, %arg10: memref<48x48xf32, #tpu.memory_space<vmem>>, %arg11: memref<16x16xf32, #tpu.memory_space<vmem>>, %arg12: memref<64x16xf32, #tpu.memory_space<vmem>>, %arg13: memref<1000x16xf32, #tpu.memory_space<vmem>>) attributes {dimension_semantics = [#tpu.dimension_semantics<arbitrary>], iteration_bounds = array<i64: 15>, scalar_prefetch = 0 : i64, scratch_operands = 0 : i64, tpu.core_type = #tpu.core_type<tc>, window_params = [{transform_indices = @transform_0, window_bounds = array<i64: 2, 1000, 64>}, {transform_indices = @transform_1, window_bounds = array<i64: 2, 1000, 48>}, {pipeline_mode = #tpu.pipeline_mode<synchronous>, transform_indices = @transform_2, window_bounds = array<i64: 48, 48>}, {pipeline_mode = #tpu.pipeline_mode<synchronous>, transform_indices = @transform_3, window_bounds = array<i64: 16, 64>}, {pipeline_mode = #tpu.pipeline_mode<synchronous>, transform_indices = @transform_4, window_bounds = array<i64: 64, 64>}, {pipeline_mode = #tpu.pipeline_mode<synchronous>, transform_indices = @transform_5, window_bounds = array<i64: 48, 48>}, {pipeline_mode = #tpu.pipeline_mode<synchronous>, transform_indices = @transform_6, window_bounds = array<i64: 64, 16>}, {pipeline_mode = #tpu.pipeline_mode<synchronous>, transform_indices = @transform_7, window_bounds = array<i64: 1, 16>}, {pipeline_mode = #tpu.pipeline_mode<synchronous>, transform_indices = @transform_8, window_bounds = array<i64: 48, 48>}, {pipeline_mode = #tpu.pipeline_mode<synchronous>, transform_indices = @transform_9, window_bounds = array<i64: 48, 48>}, {pipeline_mode = #tpu.pipeline_mode<synchronous>, transform_indices = @transform_10, window_bounds = array<i64: 16, 16>}, {pipeline_mode = #tpu.pipeline_mode<synchronous>, transform_indices = @transform_11, window_bounds = array<i64: 64, 16>}, {transform_indices = @transform_12, window_bounds = array<i64: 1000, 16>}]} {
    %get3A = arith.constant 0 : index
    %get3A_0 = arith.constant 0 : index
    %get3A_1 = arith.constant 0 : index
    %get3A_2 = vector.load %arg1[%get3A, %get3A_0, %get3A_1] : memref<2x1000x64xf32, #tpu.memory_space<vmem>>, vector<1x1000x64xf32>
    %get3A_3 = vector.shape_cast %get3A_2 : vector<1x1000x64xf32> to vector<1000x64xf32>
    %get3A_4 = arith.constant 1 : index
    %get3A_5 = arith.constant 0 : index
    %get3A_6 = arith.constant 0 : index
    %get3A_7 = vector.load %arg1[%get3A_4, %get3A_5, %get3A_6] : memref<2x1000x64xf32, #tpu.memory_space<vmem>>, vector<1x1000x64xf32>
    %get3A_8 = vector.shape_cast %get3A_7 : vector<1x1000x64xf32> to vector<1000x64xf32>
    %add3A = arith.addf %get3A_3, %get3A_8 : vector<1000x64xf32>
    %get3A_9 = arith.constant 0 : index
    %get3A_10 = arith.constant 0 : index
    %get3A_11 = arith.constant 0 : index
    %get3A_12 = vector.load %arg2[%get3A_9, %get3A_10, %get3A_11] : memref<2x1000x48xf32, #tpu.memory_space<vmem>>, vector<1x1000x48xf32>
    %get3A_13 = vector.shape_cast %get3A_12 : vector<1x1000x48xf32> to vector<1000x48xf32>
    %get3A_14 = arith.constant 1 : index
    %get3A_15 = arith.constant 0 : index
    %get3A_16 = arith.constant 0 : index
    %get3A_17 = vector.load %arg2[%get3A_14, %get3A_15, %get3A_16] : memref<2x1000x48xf32, #tpu.memory_space<vmem>>, vector<1x1000x48xf32>
    %get3A_18 = vector.shape_cast %get3A_17 : vector<1x1000x48xf32> to vector<1000x48xf32>
    %add3A_19 = arith.addf %get3A_13, %get3A_18 : vector<1000x48xf32>
    %get3A_20 = arith.constant 0 : index
    %get3A_21 = arith.constant 0 : index
    %get3A_22 = vector.load %arg3[%get3A_20, %get3A_21] : memref<48x48xf32, #tpu.memory_space<vmem>>, vector<48x48xf32>
    %dot_general3A = arith.constant dense<0.000000e+00> : vector<1000x48xf32>
    %dot_general3A_23 = tpu.matmul %add3A_19, %get3A_22, %dot_general3A {dimension_numbers = #tpu.dot_dimension_numbers<[1], [0], [0], [1], [0, 0, 1, 1], [], []>, transpose_lhs_hint = false} : vector<1000x48xf32>, vector<48x48xf32>, vector<1000x48xf32> -> vector<1000x48xf32>
    %mul3A = arith.mulf %dot_general3A_23, %dot_general3A_23 : vector<1000x48xf32>
    %slice3A = vector.extract_strided_slice %mul3A {offsets = [0, 0], sizes = [1000, 16], strides = [1, 1]} : vector<1000x48xf32> to vector<1000x16xf32>
    %slice3A_24 = vector.extract_strided_slice %mul3A {offsets = [0, 16], sizes = [1000, 16], strides = [1, 1]} : vector<1000x48xf32> to vector<1000x16xf32>
    %add3A_25 = arith.addf %slice3A, %slice3A_24 : vector<1000x16xf32>
    %slice3A_26 = vector.extract_strided_slice %mul3A {offsets = [0, 32], sizes = [1000, 16], strides = [1, 1]} : vector<1000x48xf32> to vector<1000x16xf32>
    %add3A_27 = arith.addf %add3A_25, %slice3A_26 : vector<1000x16xf32>
    %add3A_28 = arith.constant 9.99999996E-13 : f32
    %add3A_29 = vector.broadcast %add3A_28 : f32 to vector<1000x16xf32>
    %add3A_30 = arith.addf %add3A_27, %add3A_29 : vector<1000x16xf32>
    %sqrt3A = math.sqrt %add3A_30 : vector<1000x16xf32>
    %get3A_31 = arith.constant 0 : index
    %get3A_32 = arith.constant 0 : index
    %get3A_33 = vector.load %arg4[%get3A_31, %get3A_32] : memref<16x64xf32, #tpu.memory_space<vmem>>, vector<16x64xf32>
    %dot_general3A_34 = arith.constant dense<0.000000e+00> : vector<1000x64xf32>
    %dot_general3A_35 = tpu.matmul %sqrt3A, %get3A_33, %dot_general3A_34 {dimension_numbers = #tpu.dot_dimension_numbers<[1], [0], [0], [1], [0, 0, 1, 1], [], []>, transpose_lhs_hint = false} : vector<1000x16xf32>, vector<16x64xf32>, vector<1000x64xf32> -> vector<1000x64xf32>
    %get3A_36 = arith.constant 0 : index
    %get3A_37 = arith.constant 0 : index
    %get3A_38 = vector.load %arg5[%get3A_36, %get3A_37] : memref<64x64xf32, #tpu.memory_space<vmem>>, vector<64x64xf32>
    %dot_general3A_39 = arith.constant dense<0.000000e+00> : vector<1000x64xf32>
    %dot_general3A_40 = tpu.matmul %add3A, %get3A_38, %dot_general3A_39 {dimension_numbers = #tpu.dot_dimension_numbers<[1], [0], [0], [1], [0, 0, 1, 1], [], []>, transpose_lhs_hint = false} : vector<1000x64xf32>, vector<64x64xf32>, vector<1000x64xf32> -> vector<1000x64xf32>
    %add3A_41 = arith.addf %dot_general3A_35, %dot_general3A_40 : vector<1000x64xf32>
    %get3A_42 = arith.constant 0 : index
    %get3A_43 = arith.constant 0 : index
    %get3A_44 = vector.load %arg6[%get3A_42, %get3A_43] : memref<48x48xf32, #tpu.memory_space<vmem>>, vector<48x48xf32>
    %dot_general3A_45 = arith.constant dense<0.000000e+00> : vector<1000x48xf32>
    %dot_general3A_46 = tpu.matmul %dot_general3A_23, %get3A_44, %dot_general3A_45 {dimension_numbers = #tpu.dot_dimension_numbers<[1], [0], [0], [1], [0, 0, 1, 1], [], []>, transpose_lhs_hint = false} : vector<1000x48xf32>, vector<48x48xf32>, vector<1000x48xf32> -> vector<1000x48xf32>
    %get3A_47 = arith.constant 0 : index
    %get3A_48 = arith.constant 0 : index
    %get3A_49 = vector.load %arg7[%get3A_47, %get3A_48] : memref<64x16xf32, #tpu.memory_space<vmem>>, vector<64x16xf32>
    %dot_general3A_50 = arith.constant dense<0.000000e+00> : vector<1000x16xf32>
    %dot_general3A_51 = tpu.matmul %add3A_41, %get3A_49, %dot_general3A_50 {dimension_numbers = #tpu.dot_dimension_numbers<[1], [0], [0], [1], [0, 0, 1, 1], [], []>, transpose_lhs_hint = false} : vector<1000x64xf32>, vector<64x16xf32>, vector<1000x16xf32> -> vector<1000x16xf32>
    %get3A_52 = arith.constant 0 : index
    %get3A_53 = arith.constant 0 : index
    %get3A_54 = vector.load %arg8[%get3A_52, %get3A_53] : memref<1x16xf32, #tpu.memory_space<vmem>>, vector<1x16xf32>
    %add3A_55 = vector.broadcast %get3A_54 : vector<1x16xf32> to vector<1000x16xf32>
    %add3A_56 = arith.addf %dot_general3A_51, %add3A_55 : vector<1000x16xf32>
    %logistic3A = arith.negf %add3A_56 : vector<1000x16xf32>
    %logistic3A_57 = math.exp %logistic3A : vector<1000x16xf32>
    %logistic3A_58 = arith.constant 1.000000e+00 : f32
    %logistic3A_59 = vector.broadcast %logistic3A_58 : f32 to vector<1000x16xf32>
    %logistic3A_60 = arith.addf %logistic3A_59, %logistic3A_57 : vector<1000x16xf32>
    %logistic3A_61 = arith.divf %logistic3A_59, %logistic3A_60 : vector<1000x16xf32>
    %concatenate3A = tpu.concatenate %logistic3A_61, %logistic3A_61, %logistic3A_61 in 1 : vector<1000x16xf32>, vector<1000x16xf32>, vector<1000x16xf32> -> vector<1000x48xf32>
    %mul3A_62 = arith.mulf %dot_general3A_46, %concatenate3A : vector<1000x48xf32>
    %ge3A = arith.constant 0.000000e+00 : f32
    %ge3A_63 = vector.broadcast %ge3A : f32 to vector<1000x64xf32>
    %ge3A_64 = arith.cmpf oge, %add3A_41, %ge3A_63 : vector<1000x64xf32>
    %mul3A_65 = arith.constant 0.00999999977 : f32
    %mul3A_66 = vector.broadcast %mul3A_65 : f32 to vector<1000x64xf32>
    %mul3A_67 = arith.mulf %mul3A_66, %add3A_41 : vector<1000x64xf32>
    %select_n3A = arith.select %ge3A_64, %add3A_41, %mul3A_67 : vector<1000x64xi1>, vector<1000x64xf32>
    %get3A_68 = arith.constant 0 : index
    %get3A_69 = arith.constant 0 : index
    %get3A_70 = vector.load %arg9[%get3A_68, %get3A_69] : memref<48x48xf32, #tpu.memory_space<vmem>>, vector<48x48xf32>
    %dot_general3A_71 = arith.constant dense<0.000000e+00> : vector<1000x48xf32>
    %dot_general3A_72 = tpu.matmul %mul3A_62, %get3A_70, %dot_general3A_71 {dimension_numbers = #tpu.dot_dimension_numbers<[1], [0], [0], [1], [0, 0, 1, 1], [], []>, transpose_lhs_hint = false} : vector<1000x48xf32>, vector<48x48xf32>, vector<1000x48xf32> -> vector<1000x48xf32>
    %mul3A_73 = arith.mulf %mul3A_62, %dot_general3A_72 : vector<1000x48xf32>
    %slice3A_74 = vector.extract_strided_slice %mul3A_73 {offsets = [0, 0], sizes = [1000, 16], strides = [1, 1]} : vector<1000x48xf32> to vector<1000x16xf32>
    %slice3A_75 = vector.extract_strided_slice %mul3A_73 {offsets = [0, 16], sizes = [1000, 16], strides = [1, 1]} : vector<1000x48xf32> to vector<1000x16xf32>
    %add3A_76 = arith.addf %slice3A_74, %slice3A_75 : vector<1000x16xf32>
    %slice3A_77 = vector.extract_strided_slice %mul3A_73 {offsets = [0, 32], sizes = [1000, 16], strides = [1, 1]} : vector<1000x48xf32> to vector<1000x16xf32>
    %add3A_78 = arith.addf %add3A_76, %slice3A_77 : vector<1000x16xf32>
    %mul3A_79 = arith.mulf %dot_general3A_72, %dot_general3A_72 : vector<1000x48xf32>
    %slice3A_80 = vector.extract_strided_slice %mul3A_79 {offsets = [0, 0], sizes = [1000, 16], strides = [1, 1]} : vector<1000x48xf32> to vector<1000x16xf32>
    %slice3A_81 = vector.extract_strided_slice %mul3A_79 {offsets = [0, 16], sizes = [1000, 16], strides = [1, 1]} : vector<1000x48xf32> to vector<1000x16xf32>
    %add3A_82 = arith.addf %slice3A_80, %slice3A_81 : vector<1000x16xf32>
    %slice3A_83 = vector.extract_strided_slice %mul3A_79 {offsets = [0, 32], sizes = [1000, 16], strides = [1, 1]} : vector<1000x48xf32> to vector<1000x16xf32>
    %add3A_84 = arith.addf %add3A_82, %slice3A_83 : vector<1000x16xf32>
    %ge3A_85 = arith.constant 0.000000e+00 : f32
    %ge3A_86 = vector.broadcast %ge3A_85 : f32 to vector<1000x16xf32>
    %ge3A_87 = arith.cmpf oge, %add3A_78, %ge3A_86 : vector<1000x16xf32>
    %convert_element_type3A = arith.extui %ge3A_87 : vector<1000x16xi1> to vector<1000x16xi32>
    %convert_element_type3A_88 = arith.sitofp %convert_element_type3A : vector<1000x16xi32> to vector<1000x16xf32>
    %add3A_89 = arith.constant 9.99999997E-7 : f32
    %add3A_90 = vector.broadcast %add3A_89 : f32 to vector<1000x16xf32>
    %add3A_91 = arith.addf %add3A_84, %add3A_90 : vector<1000x16xf32>
    %div3A = arith.divf %add3A_78, %add3A_91 : vector<1000x16xf32>
    %concatenate3A_92 = tpu.concatenate %div3A, %div3A, %div3A in 1 : vector<1000x16xf32>, vector<1000x16xf32>, vector<1000x16xf32> -> vector<1000x48xf32>
    %mul3A_93 = arith.mulf %concatenate3A_92, %dot_general3A_72 : vector<1000x48xf32>
    %sub3A = arith.subf %mul3A_62, %mul3A_93 : vector<1000x48xf32>
    %mul3A_94 = arith.constant 2.000000e-01 : f32
    %mul3A_95 = vector.broadcast %mul3A_94 : f32 to vector<1000x48xf32>
    %mul3A_96 = arith.mulf %mul3A_95, %mul3A_62 : vector<1000x48xf32>
    %concatenate3A_97 = tpu.concatenate %convert_element_type3A_88, %convert_element_type3A_88, %convert_element_type3A_88 in 1 : vector<1000x16xf32>, vector<1000x16xf32>, vector<1000x16xf32> -> vector<1000x48xf32>
    %mul3A_98 = arith.mulf %concatenate3A_97, %mul3A_62 : vector<1000x48xf32>
    %sub3A_99 = arith.constant 1.000000e+00 : f32
    %sub3A_100 = vector.broadcast %sub3A_99 : f32 to vector<1000x16xf32>
    %sub3A_101 = arith.subf %sub3A_100, %convert_element_type3A_88 : vector<1000x16xf32>
    %concatenate3A_102 = tpu.concatenate %sub3A_101, %sub3A_101, %sub3A_101 in 1 : vector<1000x16xf32>, vector<1000x16xf32>, vector<1000x16xf32> -> vector<1000x48xf32>
    %mul3A_103 = arith.mulf %concatenate3A_102, %sub3A : vector<1000x48xf32>
    %add3A_104 = arith.addf %mul3A_98, %mul3A_103 : vector<1000x48xf32>
    %mul3A_105 = arith.constant 8.000000e-01 : f32
    %mul3A_106 = vector.broadcast %mul3A_105 : f32 to vector<1000x48xf32>
    %mul3A_107 = arith.mulf %mul3A_106, %add3A_104 : vector<1000x48xf32>
    %add3A_108 = arith.addf %mul3A_96, %mul3A_107 : vector<1000x48xf32>
    %get3A_109 = arith.constant 0 : index
    %get3A_110 = arith.constant 0 : index
    %get3A_111 = vector.load %arg10[%get3A_109, %get3A_110] : memref<48x48xf32, #tpu.memory_space<vmem>>, vector<48x48xf32>
    %dot_general3A_112 = arith.constant dense<0.000000e+00> : vector<1000x48xf32>
    %dot_general3A_113 = tpu.matmul %add3A_108, %get3A_111, %dot_general3A_112 {dimension_numbers = #tpu.dot_dimension_numbers<[1], [0], [0], [1], [0, 0, 1, 1], [], []>, transpose_lhs_hint = false} : vector<1000x48xf32>, vector<48x48xf32>, vector<1000x48xf32> -> vector<1000x48xf32>
    %mul3A_114 = arith.mulf %dot_general3A_113, %dot_general3A_113 : vector<1000x48xf32>
    %slice3A_115 = vector.extract_strided_slice %mul3A_114 {offsets = [0, 0], sizes = [1000, 16], strides = [1, 1]} : vector<1000x48xf32> to vector<1000x16xf32>
    %slice3A_116 = vector.extract_strided_slice %mul3A_114 {offsets = [0, 16], sizes = [1000, 16], strides = [1, 1]} : vector<1000x48xf32> to vector<1000x16xf32>
    %add3A_117 = arith.addf %slice3A_115, %slice3A_116 : vector<1000x16xf32>
    %slice3A_118 = vector.extract_strided_slice %mul3A_114 {offsets = [0, 32], sizes = [1000, 16], strides = [1, 1]} : vector<1000x48xf32> to vector<1000x16xf32>
    %add3A_119 = arith.addf %add3A_117, %slice3A_118 : vector<1000x16xf32>
    %add3A_120 = arith.constant 9.99999996E-13 : f32
    %add3A_121 = vector.broadcast %add3A_120 : f32 to vector<1000x16xf32>
    %add3A_122 = arith.addf %add3A_119, %add3A_121 : vector<1000x16xf32>
    %sqrt3A_123 = math.sqrt %add3A_122 : vector<1000x16xf32>
    %get3A_124 = arith.constant 0 : index
    %get3A_125 = arith.constant 0 : index
    %get3A_126 = vector.load %arg11[%get3A_124, %get3A_125] : memref<16x16xf32, #tpu.memory_space<vmem>>, vector<16x16xf32>
    %dot_general3A_127 = arith.constant dense<0.000000e+00> : vector<1000x16xf32>
    %dot_general3A_128 = tpu.matmul %sqrt3A_123, %get3A_126, %dot_general3A_127 {dimension_numbers = #tpu.dot_dimension_numbers<[1], [0], [0], [1], [0, 0, 1, 1], [], []>, transpose_lhs_hint = false} : vector<1000x16xf32>, vector<16x16xf32>, vector<1000x16xf32> -> vector<1000x16xf32>
    %get3A_129 = arith.constant 0 : index
    %get3A_130 = arith.constant 0 : index
    %get3A_131 = vector.load %arg12[%get3A_129, %get3A_130] : memref<64x16xf32, #tpu.memory_space<vmem>>, vector<64x16xf32>
    %dot_general3A_132 = arith.constant dense<0.000000e+00> : vector<1000x16xf32>
    %dot_general3A_133 = tpu.matmul %select_n3A, %get3A_131, %dot_general3A_132 {dimension_numbers = #tpu.dot_dimension_numbers<[1], [0], [0], [1], [0, 0, 1, 1], [], []>, transpose_lhs_hint = false} : vector<1000x64xf32>, vector<64x16xf32>, vector<1000x16xf32> -> vector<1000x16xf32>
    %add3A_134 = arith.addf %dot_general3A_128, %dot_general3A_133 : vector<1000x16xf32>
    %swap3A = arith.constant 0 : index
    %swap3A_135 = arith.constant 0 : index
    %swap3A_136 = vector.load %arg13[%swap3A, %swap3A_135] : memref<1000x16xf32, #tpu.memory_space<vmem>>, vector<1000x16xf32>
    tpu.vector_store %arg13[%swap3A, %swap3A_135], %add3A_134 {strides = array<i32>} : memref<1000x16xf32, #tpu.memory_space<vmem>>, vector<1000x16xf32>,
    return
  }
  func.func @transform_0(%arg0: i32) -> (i32, i32, i32) {
    %c0_i32 = arith.constant 0 : i32
    %c0_i32_0 = arith.constant 0 : i32
    %c0_i32_1 = arith.constant 0 : i32
    return %c0_i32, %arg0, %c0_i32_0 : i32, i32, i32
  }
  func.func @transform_1(%arg0: i32) -> (i32, i32, i32) {
    %c0_i32 = arith.constant 0 : i32
    %c0_i32_0 = arith.constant 0 : i32
    %c0_i32_1 = arith.constant 0 : i32
    return %c0_i32, %arg0, %c0_i32_0 : i32, i32, i32
  }
  func.func @transform_2(%arg0: i32) -> (i32, i32) {
    %c0_i32 = arith.constant 0 : i32
    %c0_i32_0 = arith.constant 0 : i32
    %c0_i32_1 = arith.constant 0 : i32
    return %c0_i32, %c0_i32_0 : i32, i32
  }
  func.func @transform_3(%arg0: i32) -> (i32, i32) {
    %c0_i32 = arith.constant 0 : i32
    %c0_i32_0 = arith.constant 0 : i32
    %c0_i32_1 = arith.constant 0 : i32
    return %c0_i32, %c0_i32_0 : i32, i32
  }
  func.func @transform_4(%arg0: i32) -> (i32, i32) {
    %c0_i32 = arith.constant 0 : i32
    %c0_i32_0 = arith.constant 0 : i32
    %c0_i32_1 = arith.constant 0 : i32
    return %c0_i32, %c0_i32_0 : i32, i32
  }
  func.func @transform_5(%arg0: i32) -> (i32, i32) {
    %c0_i32 = arith.constant 0 : i32
    %c0_i32_0 = arith.constant 0 : i32
    %c0_i32_1 = arith.constant 0 : i32
    return %c0_i32, %c0_i32_0 : i32, i32
  }
  func.func @transform_6(%arg0: i32) -> (i32, i32) {
    %c0_i32 = arith.constant 0 : i32
    %c0_i32_0 = arith.constant 0 : i32
    %c0_i32_1 = arith.constant 0 : i32
    return %c0_i32, %c0_i32_0 : i32, i32
  }
  func.func @transform_7(%arg0: i32) -> (i32, i32) {
    %c0_i32 = arith.constant 0 : i32
    %c0_i32_0 = arith.constant 0 : i32
    %c0_i32_1 = arith.constant 0 : i32
    return %c0_i32, %c0_i32_0 : i32, i32
  }
  func.func @transform_8(%arg0: i32) -> (i32, i32) {
    %c0_i32 = arith.constant 0 : i32
    %c0_i32_0 = arith.constant 0 : i32
    %c0_i32_1 = arith.constant 0 : i32
    return %c0_i32, %c0_i32_0 : i32, i32
  }
  func.func @transform_9(%arg0: i32) -> (i32, i32) {
    %c0_i32 = arith.constant 0 : i32
    %c0_i32_0 = arith.constant 0 : i32
    %c0_i32_1 = arith.constant 0 : i32
    return %c0_i32, %c0_i32_0 : i32, i32
  }
  func.func @transform_10(%arg0: i32) -> (i32, i32) {
    %c0_i32 = arith.constant 0 : i32
    %c0_i32_0 = arith.constant 0 : i32
    %c0_i32_1 = arith.constant 0 : i32
    return %c0_i32, %c0_i32_0 : i32, i32
  }
  func.func @transform_11(%arg0: i32) -> (i32, i32) {
    %c0_i32 = arith.constant 0 : i32
    %c0_i32_0 = arith.constant 0 : i32
    %c0_i32_1 = arith.constant 0 : i32
    return %c0_i32, %c0_i32_0 : i32, i32
  }
  func.func @transform_12(%arg0: i32) -> (i32, i32) {
    %c0_i32 = arith.constant 0 : i32
    %c0_i32_0 = arith.constant 0 : i32
    return %arg0, %c0_i32 : i32, i32
  }
}

</mosaic_0001>

<sc_bundles>
// kernel: kernel.11.cloned.1.call-start
scs
__scs_entry_jumppad:
0x0: {  	(pc) =	sbr.rel $0x88, $3  }
0x1: {  	(tag) =	ssettag $0x0;
	lr =	simm.s32 $0x1  }
0x2: {  	[smem:$0x3F7B] =	sst lr;
	_ =	strace $0xD0000000  }
0x3: {  	_ = 	snop  }
0x4: {  	_ = 	snop  }
0x5: {  	_ = 	snop  }
0x6: {  	_ = 	snop  }
0x7: {  	_ = 	snop  }
__scs_overlays_trampoline_lowered:
0x8: {  	[smem:$0x3F8A] =	sst s0  }
0x9: {  	[smem:$0x3F8B] =	sst s1  }
0xa: {  	[smem:$0x3F8C] =	sst s2  }
0xb: {  	[smem:$0x3F8D] =	sst s3  }
0xc: {  	[smem:$0x3F8E] =	sst s4  }
0xd: {  	[smem:$0x3F8F] =	sst s5  }
0xe: {  	[smem:$0x3F90] =	sst s6  }
0xf: {  	[smem:$0x3F91] =	sst s7  }
0x10: {  	[smem:$0x3F92] =	sst s8  }
0x11: {  	[smem:$0x3F93] =	sst s9;
	s0 =	simm.s32 @!p0 $0x0  }
0x12: {  	s1 =	sld [smem:$0x3F79];
	s0 =	simm.s32 @p0 $0x1  }
0x13: {  	[smem:$0x3F94] =	sst s0;
	s0 =	simm.s32 @!p1 $0x0  }
0x14: {  	s2 =	sld [smem:$0x3F78];
	s0 =	simm.s32 @p1 $0x1  }
0x15: {  	[smem:$0x3F95] =	sst s0;
	s0 =	simm.s32 @!p2 $0x0  }
0x16: {  	s3 =	sld [smem:$0x3FDB];
	s0 =	simm.s32 @p2 $0x1  }
0x17: {  	s4 =	simm.s32 $0x1BF5;
	[smem:$0x3F97] =	sst s0  }
0x18: {  	s0 =	sld [smem:$0x3F7A];
	_ =	swait.ge [sflag:s4], $0x0  }
0x19: {  	s7 =	sld [smem:$0x3F7B]  }
0x1a: {  	s8 =	sadd.s32 $0xFFFFE003, lr  }
0x1b: {  	s9 =	sadd.s32 $0xFFFFFEF7, lr;
	s5 =	simm.s32 $0xFFFFFFFF;
	p2 =	slt.u32 s8, $0xFFFFF086  }
0x1c: {  	p1 =	slt.u32 s9, $0xF7A;
	s5 =	simm.s32 @!p2 $0x0  }
0x1d: {  	s5 =	simm.s32 @p1 $0x1;
	p0 =	seq.s32 s7, s2  }
0x1e: {  	s7 =	smul.u32 @!p0 $0xF7A, s2;
	p2 =	seq.s32 @!p0 s5, $0x0  }
0x1f: {  	s9 =	smul.u32 $0xF7A, s1;
	s8 =	simm.s32 @!p0 $0x1BF5;
	p2 =	por !p2, p0  }
0x20: {  	[sflag:s8] =	ssyncset.s32 @!p0 $0xFFFFF086;
	s6 =	sadd.s32 @!p0 s3, s7;
	s7 =	simm.s32 @!p0 $0x108  }
0x21: {  	s3 =	sadd.s32 s3, s9;
	s6 =	sadd.s32 @!p0 $0x88, s6;
	s7 =	simm.s32 @p2 $0x1082  }
0x22: {  	[simem:s7], [sflag:s8] =	dma.local @!p0 [hbm:s6], $0xF7A  }
0x23: {  	s9 =	sor.u32 $0xD0000000, s2;
	s6 =	simm.s32 $0x108;
	_ =	swait.ge @!p0 [sflag:s8], $0x0  }
0x24: {  	s3 =	sadd.s32 $0x88, s3;
	s6 =	simm.s32 @!p1 $0x1082;
	[sflag:s4] =	ssyncset.s32 $0xFFFFF086  }
0x25: {  	[simem:s6], [sflag:s4] =	dma.local [hbm:s3], $0xF7A  }
0x26: {  	[smem:$0x3F7B] =	sst s1;
	(tag) =	ssettag s2;
	_ =	strace s9  }
0x27: {  	s1 =	sld [smem:$0x3F8B]  }
0x28: {  	s2 =	sld [smem:$0x3F8C]  }
0x29: {  	s4 =	sld [smem:$0x3F8E]  }
0x2a: {  	p0 =	seq.s32 s5, $0x0;
	s5 =	sld [smem:$0x3F8F]  }
0x2b: {  	s6 =	sld [smem:$0x3F90]  }
0x2c: {  	s7 =	sld [smem:$0x3F91]  }
0x2d: {  	s3 =	simm.s32 $0x108;
	s8 =	sld [smem:$0x3F92]  }
0x2e: {  	s3 =	simm.s32 @!p0 $0x1082;
	s9 =	sld [smem:$0x3F93]  }
0x2f: {  	lr =	sadd.s32 s0, s3;
	s0 =	sld [smem:$0x3F8A]  }
0x30: {  	s3 =	sld [smem:$0x3F8D]  }
0x31: {  	[smem:$0x3F96] =	sst s10  }
0x32: {  	s10 =	sld [smem:$0x3F94];
	_ =	sdelay $0x3  }
0x33: {  	p0 =	seq.s32 s10, $0x1;
	s10 =	sld [smem:$0x3F96];
	_ =	sdelay $0x3  }
0x34: {  	[smem:$0x3F96] =	sst s10  }
0x35: {  	s10 =	sld [smem:$0x3F95];
	_ =	sdelay $0x3  }
0x36: {  	p1 =	seq.s32 s10, $0x1;
	s10 =	sld [smem:$0x3F96];
	_ =	sdelay $0x3  }
0x37: {  	[smem:$0x3F96] =	sst s10  }
0x38: {  	s10 =	sld [smem:$0x3F97]  }
0x39: {  	_ = 	snop;
	(pc) =	sbr.ind lr, $3  }
0x3a: {  	_ = 	snop  }
0x3b: {  	_ = 	snop  }
0x3c: {  	p2 =	seq.s32 s10, $0x1;
	s10 =	sld [smem:$0x3F96]  }
0x3d: {  	_ =	shalt  }
0x3e: {  	_ =	shalt  }
0x3f: {  	_ =	shalt  }
0x40: {  	_ =	shalt  }
0x41: {  	_ =	shalt  }
0x42: {  	_ =	shalt  }
0x43: {  	_ =	shalt  }
0x44: {  	_ =	shalt  }
0x45: {  	_ =	shalt  }
0x46: {  	_ =	shalt  }
0x47: {  	_ =	shalt  }
0x48: {  	_ =	shalt  }
0x49: {  	_ =	shalt  }
0x4a: {  	_ =	shalt  }
0x4b: {  	_ =	shalt  }
0x4c: {  	_ =	shalt  }
0x4d: {  	_ =	shalt  }
0x4e: {  	_ =	shalt  }
0x4f: {  	_ =	shalt  }
0x50: {  	_ =	shalt  }
0x51: {  	_ =	shalt  }
0x52: {  	_ =	shalt  }
0x53: {  	_ =	shalt  }
0x54: {  	_ =	shalt  }
0x55: {  	_ =	shalt  }
0x56: {  	_ =	shalt  }
0x57: {  	_ =	shalt  }
0x58: {  	_ =	shalt  }
0x59: {  	_ =	shalt  }
0x5a: {  	_ =	shalt  }
0x5b: {  	_ =	shalt  }
0x5c: {  	_ =	shalt  }
0x5d: {  	_ =	shalt  }
0x5e: {  	_ =	shalt  }
0x5f: {  	_ =	shalt  }
0x60: {  	_ =	shalt  }
0x61: {  	_ =	shalt  }
0x62: {  	_ =	shalt  }
0x63: {  	_ =	shalt  }
0x64: {  	_ =	shalt  }
0x65: {  	_ =	shalt  }
0x66: {  	_ =	shalt  }
0x67: {  	_ =	shalt  }
0x68: {  	_ =	shalt  }
0x69: {  	_ =	shalt  }
0x6a: {  	_ =	shalt  }
0x6b: {  	_ =	shalt  }
0x6c: {  	_ =	shalt  }
0x6d: {  	_ =	shalt  }
0x6e: {  	_ =	shalt  }
0x6f: {  	_ =	shalt  }
0x70: {  	_ =	shalt  }
0x71: {  	_ =	shalt  }
0x72: {  	_ =	shalt  }
0x73: {  	_ =	shalt  }
0x74: {  	_ =	shalt  }
0x75: {  	_ =	shalt  }
0x76: {  	_ =	shalt  }
0x77: {  	_ =	shalt  }
0x78: {  	_ =	shalt  }
0x79: {  	_ =	shalt  }
0x7a: {  	_ =	shalt  }
0x7b: {  	_ =	shalt  }
0x7c: {  	_ =	shalt  }
0x7d: {  	_ =	shalt  }
0x7e: {  	_ =	shalt  }
0x7f: {  	_ =	shalt  }
0x80: {  	_ =	shalt  }
0x81: {  	_ =	shalt  }
0x82: {  	_ =	shalt  }
0x83: {  	_ =	shalt  }
0x84: {  	_ =	shalt  }
0x85: {  	_ =	shalt  }
0x86: {  	_ =	shalt  }
0x87: {  	_ =	shalt  }
.Lfunc_end0:
.L_simem_size_0:
called_computation.1_lowered:
.L_overlay_start_0:
0x88: {  	s2 =	sld [smem:$0x3FD9]  }
0x89: {  	s3 =	sld [smem:$0x3FFE];
	_ =	sdelay $0x1  }
0x8a: {  	s1 =	srdreg.scid  }
0x8b: {  	s0 =	sand.u32 $0x1, s1  }
0x8c: {  	s17 =	sshll.u32 s0, $0xA;
	s2 =	sadd.s32 s3, s2  }
0x8d: {  	s2 =	sadd.s32 s2, s17  }
0x8e: {  	[smem:$0x3FA2] =	sst s2  }
0x8f: {  	_ = 	snop  }
0x90: {  	s18 =	sld [smem:$0x3FD0];
	(tm) =	ssettm $0x1  }
0x91: {  	s19 =	sld [smem:$0x3FFB];
	_ =	sdelay $0x3  }
0x92: {  	_ =	strace s19  }
0x93: {  	s2 =	sld [smem:$0x3FFC];
	_ =	sdelay $0x3  }
0x94: {  	_ =	strace s2  }
0x95: {  	s2 =	sld [smem:$0x3FFD];
	_ =	sdelay $0x3  }
0x96: {  	_ =	strace s2  }
0x97: {  	_ =	strace $0x8FFFFFFF  }
0x98: {  	s20 =	sld [smem:$0x3FDB];
	_ =	sdelay $0x1  }
0x99: {  	s4 =	simm.s32 $_scs_section_size  }
0x9a: {  	s5 =	simm.s32 $_size__tile_overlayer_lowered;
	s6 =	simm.s32 $_tile_overlayer_lowered  }
0x9b: {  	s7 =	simm.s32 $0x1BFF;
	s21 =	sshll.u32 s6, $0x1;
	s4 =	sadd.s32 s4, s20  }
0x9c: {  	s22 =	simm.s32 $0x0;
	s5 =	sshll.u32 s5, $0x1;
	s6 =	sadd.s32 s21, s4  }
0x9d: {  	[timem:s22], [sflag:s7] =	dma.local [hbm:s6], s5  }
0x9e: {  	_ =	swait.ge [sflag:s7], s5  }
0x9f: {  	s5 =	ssub.s32 $0x0, s5;
	[sflag:s7] =	ssyncset.done $0x0  }
0xa0: {  	[sflag:s7] =	ssyncadd.s32 s5;
	_ =	sdelay $0x1  }
0xa1: {  	s23 =	simm.s32 $0x1B8B  }
0xa2: {  	_ =	swait.ge [sflag:s23], $0x1  }
0xa3: {  	[sflag:s23] =	ssyncset.done $0x0  }
0xa4: {  	[sflag:s23] =	ssyncadd.s32 $0xFFFFFFFF  }
0xa5: {  	s5 =	sld [smem:$0x0]  }
0xa6: {  	s6 =	sand.u32 $0xFFFFFFFE, s1  }
0xa7: {  	p0 =	sne.s32 s1, s6  }
0xa8: {  	s6 =	sshll.u32 @p0 s6, $0xE  }
0xa9: {  	s6 =	sadd.s32 @p0 $0x11B8D, s6;
	s7 =	sshll.u32 @p0 s5, $0x11  }
0xaa: {  	s6 =	sor.u32 @p0 s7, s6  }
0xab: {  	[sflag:s6] =	ssyncadd.remote.s32 @p0 $0x1;
	_ =	sdelay $0x1  }
0xac: {  	s6 =	simm.s32 @p0 $0x1B8D  }
0xad: {  	_ =	swait.eq @p0 [sflag:s6], $0x1  }
0xae: {  	[sflag:s6] =	ssyncadd.s32 @p0 $0xFFFFFFFF  }
0xaf: {  	s7 =	sshll.u32 @!p0 s1, $0xE  }
0xb0: {  	s7 =	sor.u32 @!p0 $0x4000, s7;
	s6 =	simm.s32 @!p0 $0x1B8D  }
0xb1: {  	s5 =	sshll.u32 @!p0 s5, $0x11;
	s7 =	sadd.s32 @!p0 $0x11B8D, s7;
	_ =	swait.eq @!p0 [sflag:s6], $0x1  }
0xb2: {  	s5 =	sor.u32 @!p0 s5, s7;
	[sflag:s6] =	ssyncadd.s32 @!p0 $0xFFFFFFFF  }
0xb3: {  	s25 =	simm.s32 $0x1B8E;
	s24 =	sld [smem:$0x3FFE];
	[sflag:s5] =	ssyncadd.remote.s32 @!p0 $0x1  }
0xb4: {  	s26 =	simm.s32 $execute0_lowered;
	[smem:$0x3FD2] =	sst s25  }
0xb5: {  	s6 =	sshll.u32 s26, $0x1;
	_ =	strace $0x8000004C;
	[dreg:$0x1] =	wrdreg $0xFFFFFFFF  }
0xb6: {  	s28 =	simm.s32 $_size_execute0_lowered;
	s4 =	sadd.s32 s4, s6;
	[dreg:$0x0] =	wrdreg $0x0  }
0xb7: {  	s6 =	sshll.u32 s28, $0x1;
	[dreg:$0x2] =	wrdreg s4  }
0xb8: {  	[dreg:$0x3] =	wrdreg s6  }
0xb9: {  	[dreg:$0x4] =	wrdreg $0xC0  }
0xba: {  	_ =	task [dreg:s22], $0x5FFFF  }
0xbb: {  	[dreg:$0x1] =	wrdreg $0xFFFFFFFF  }
0xbc: {  	[dreg:$0x0] =	wrdreg $0x60  }
0xbd: {  	[dreg:$0x2] =	wrdreg s24  }
0xbe: {  	[dreg:$0x3] =	wrdreg s18  }
0xbf: {  	[dreg:$0x4] =	wrdreg $0x1E780  }
0xc0: {  	[dreg:$0x5] =	wrdreg $0x9  }
0xc1: {  	_ =	task.clear_ibuf [dreg:s22], $0x6FFFF;
	_ =	strace $0x9000004C  }
0xc2: {  	s29 =	simm.s32 $0x9;
	_ =	strace $0x8000004E  }
0xc3: {  	_ =	swait.ge [sflag:s29], $0x1  }
0xc4: {  	[sflag:s29] =	ssyncadd.s32 $0xFFFFFFFF  }
0xc5: {  	_ =	strace $0x9000004E  }
0xc6: {  	_ =	sfence  }
0xc7: {  	s30 =	sld [smem:$0x0];
	_ =	sdelay $0x2  }
0xc8: {  	s31 =	sshll.u32 s1, $0xD;
	s1 =	sshrl.u32 s1, $0x2  }
0xc9: {  	s4 =	sand.u32 $0x4000, s31;
	s1 =	sadd.s32 s1, s30  }
0xca: {  	s0 =	sor.u32 s4, s0;
	s1 =	sshll.u32 s1, $0x11  }
0xcb: {  	s0 =	sor.u32 s1, s0  }
0xcc: {  	s0 =	sadd.s32 $0x8F2B, s0  }
0xcd: {  	[sflag:s0] =	ssyncadd.remote.s32 $0x1  }
0xce: {  	_ =	sfence.sel $0xFFFF  }
0xcf: {  	[dreg:$0x0] =	wrdreg $0xFFFFFFFF;
	(pc) =	sbr.abs _section_cstart, $3  }
0xd0: {  	[dreg:$0x1] =	wrdreg $0xFFFFFFFF  }
0xd1: {  	_ =	task.clear_ibuf [dreg:s22], $0x2FFFF;
	_ =	strace $0x9FFFFFFF  }
0xd2: {  	(tm) =	ssettm $0x7FFFFFFF  }
0xd3: {  	_ =	shalt  }
tec
execute0_lowered:
.L_overlay_start_1:
0x0: {  	(tag) =	ssettag $0x1  }
0x1: {  	s5 =	rddreg [dreg:$0x0];
	s0 =	stileid.u32  }
0x2: {  	s1 =	srdreg.scid;
	s2 =	rddreg [dreg:$0x1]  }
0x3: {  	s3 =	rddreg [dreg:$0x2];
	s4 =	simm.s32 $0x0;
	s6 =	smul.u32 $0x75300, s0  }
0x4: {  	s12 =	simm.s32 $0x40;
	s13 =	simm.s32 $0x80;
	s8 =	smul.u32 $0x7530, s0  }
0x5: {  	s14 =	simm.s32 $0x78;
	s7 =	sand.u32 $0x1, s1;
	s10 =	smul.u32 $0xF000, s0  }
0x6: {  	s15 =	simm.s32 $0x0;
	s1 =	rddreg [dreg:$0x3];
	s9 =	smul.u32 $0x3A98, s7  }
0x7: {  	[smem:$0x7FF] =	sst s4;
	s31 =	sshll.u32 s0, $0x6;
	s11 =	smul.u32 $0xF0000, s7  }
0x8: {  	_ =	strace $0x8000004D;
	s29 =	ssub.s32 $0x2, s7;
	s7 =	smul.u32 $0x3A980, s7  }
0x9: {  	s23 =	sadd.s32 s6, s5;
	s30 =	sshrl.u32 s29, $0x1;
	s8 =	sadd.s32 s9, s8  }
0xa: {  	s25 =	sadd.s32 s10, s11;
	s10 =	sadd.s32 s10, s3;
	s9 =	sadd.s32 s7, s23  }
0xb: {  	s11 =	simm.s32 $0x1;
	s24 =	sshrl.u32 s8, $0x3;
	s28 =	sshrl.u32 s25, $0x3  }
0xc: {  	s8 =	ssub.s32 s29, s30;
	s10 =	sshrl.u32 s10, $0x3;
	s26 =	sadd.s32 s24, s5  }
0xd: {  	s6 =	sadd.s32 s28, s5;
	s5 =	sor.u32 $0x1C01, s31;
	s7 =	smax.u32 s8, $0x1  }
0xe: {  	s8 =	sadd.s32 $0x1188600, s9;
	s6 =	sadd.s32 $0x50200, s6;
	s9 =	sadd.s32 $0x14600, s26  }
.LBB2_1:
0xf: {  	[spmem:s10], [sflag:s5] =	dma.local [hbm:s2], $0x1E00  }
0x10: {  	_ =	swait.ge [sflag:s11], $0x1E00  }
0x11: {  	[sflag:s11] =	ssyncset.done $0x0  }
0x12: {  	[sflag:s11] =	ssyncadd.s32 $0xFFFFE200  }
0x13: {  	s16 =	sadd.s32 $0x0, s9;
	[bflag:$0x0] =	sbarrier.arrive $0xFFFF  }
0x14: {  	[tilespmem:s4], [sflag:$0x1] =	stream.linear.gather [hbm4b:s16+s4], $0x78, $0x38;
	[tilespmem:$0x10E78] =	vst v63  }
0x15: {  	_ =	swait.ge [sflag:s11], $0x78  }
0x16: {  	[sflag:s11] =	ssyncset.done $0x0  }
0x17: {  	[sflag:s11] =	ssyncadd.s32 $0xFFFFFF88  }
0x18: {  	[tilespmem:s14], [sflag:$0x1] =	stream.strided.gather [hbm4b:s8+s12], $0x1E00, s13, s12, $0x38;
	[tilespmem:$0x10E78] =	vst v63  }
0x19: {  	_ =	swait.ge [sflag:s11], $0x1E00  }
0x1a: {  	[sflag:s11] =	ssyncset.done $0x0  }
0x1b: {  	[sflag:s11] =	ssyncadd.s32 $0xFFFFE200  }
0x1c: {  	[spmem:s3] =	stream.indirect.scatter.add.f32 [tilespmem:s14], [sflag:$0x1], $0x40, s4, s14, $0xb8;
	[tilespmem:$0x10E78] =	vst v63  }
0x1d: {  	s17 =	simm.s32 $0xF;
	_ =	swait.ge [sflag:s11], $0x1E00  }
0x1e: {  	s18 =	simm.s32 $0x1E;
	s16 =	sadd.s32 $0x780, s8;
	[sflag:s11] =	ssyncset.done $0x0  }
.LBB2_2:
0x1f: {  	s19 =	sadd.s32 s17, s9  }
0x20: {  	[sflag:s11] =	ssyncadd.s32 $0xFFFFE200;
	s17 =	smov.u32 s18;
	s20 =	sadd.s32 $0xF, s18  }
0x21: {  	[tilespmem:s4], [sflag:$0x1] =	stream.linear.gather [hbm4b:s19+s4], $0x78, $0x38;
	[tilespmem:$0x10E78] =	vst v63  }
0x22: {  	p0 =	sne.s32 s18, $0x744;
	_ =	swait.ge [sflag:s11], $0x78  }
0x23: {  	[sflag:s11] =	ssyncset.done $0x0  }
0x24: {  	[sflag:s11] =	ssyncadd.s32 $0xFFFFFF88  }
0x25: {  	[tilespmem:s14], [sflag:$0x1] =	stream.strided.gather [hbm4b:s16+s12], $0x1E00, s13, s12, $0x38;
	[tilespmem:$0x10E78] =	vst v63  }
0x26: {  	_ =	swait.ge [sflag:s11], $0x1E00  }
.Ltmp0:
0x27: {  	[sflag:s11] =	ssyncset.done $0x0;
	(pc) =	sbr.rel @p0 .LBB2_2-.Ltmp0, $4  }
0x28: {  	[sflag:s11] =	ssyncadd.s32 $0xFFFFE200  }
0x29: {  	[spmem:s3] =	stream.indirect.scatter.add.f32 [tilespmem:s14], [sflag:$0x1], $0x40, s4, s14, $0xb8;
	[tilespmem:$0x10E78] =	vst v63  }
0x2a: {  	_ =	swait.ge [sflag:s11], $0x1E00  }
0x2b: {  	s18 =	smov.u32 s20;
	s16 =	sadd.s32 $0x780, s16;
	[sflag:s11] =	ssyncset.done $0x0  }
0x2c: {  	s17 =	sadd.s32 s17, s9;
	[sflag:s11] =	ssyncadd.s32 $0xFFFFE200  }
0x2d: {  	[tilespmem:s4], [sflag:$0x1] =	stream.linear.gather [hbm4b:s17+s4], $0x78, $0x38;
	[tilespmem:$0x10E78] =	vst v63  }
0x2e: {  	_ =	swait.ge [sflag:s11], $0x78  }
0x2f: {  	[sflag:s11] =	ssyncset.done $0x0  }
0x30: {  	[sflag:s11] =	ssyncadd.s32 $0xFFFFFF88  }
0x31: {  	[tilespmem:s14], [sflag:$0x1] =	stream.strided.gather [hbm4b:s16+s12], $0x1E00, s13, s12, $0x38;
	[tilespmem:$0x10E78] =	vst v63  }
0x32: {  	_ =	swait.ge [sflag:s11], $0x1E00  }
0x33: {  	[sflag:s11] =	ssyncset.done $0x0  }
0x34: {  	[sflag:s11] =	ssyncadd.s32 $0xFFFFE200  }
0x35: {  	[spmem:s3] =	stream.indirect.scatter.add.f32 [tilespmem:s14], [sflag:$0x1], $0x40, s4, s14, $0xb8;
	[tilespmem:$0x10E78] =	vst v63  }
0x36: {  	_ =	swait.ge [sflag:s11], $0x1E00  }
0x37: {  	s15 =	sadd.s32 $0x1, s15;
	[sflag:s11] =	ssyncset.done $0x0  }
0x38: {  	p0 =	sne.s32 s15, s7;
	[sflag:s11] =	ssyncadd.s32 $0xFFFFE200  }
.Ltmp1:
0x39: {  	[bflag:$0x0] =	sbarrier.arrive $0xFFFF;
	(pc) =	sbr.rel @p0 .LBB2_1-.Ltmp1, $4  }
0x3a: {  	[hbm:s6], [sflag:s5] =	dma.local [spmem:s10], $0x1E00  }
0x3b: {  	_ =	swait.ge [sflag:s11], $0x1E00  }
0x3c: {  	[sflag:s11] =	ssyncset.done $0x0  }
0x3d: {  	[sflag:s11] =	ssyncadd.s32 $0xFFFFE200  }
0x3e: {  	_ =	sfence.sel $0x180000  }
0x3f: {  	[bflag:$0x0] =	sbarrier.arrive $0xFFFF  }
0x40: {  	p0 =	sne.s32 s0, $0x0;
	_ =	strace $0x9000004D  }
0x41: {  	s0 =	sadd.s32 @!p0 $0x100000, s1;
	[bflag:$0x2] =	sbarrier.arrive $0xFFFF  }
0x42: {  	[sflag:s0] =	ssyncadd.tile.s32 @!p0 $0x1;
	_ =	shalt  }
.Lfunc_end2:
_tile_overlayer_lowered:
.L_overlay_start_2:
0x43: {  	(tag) =	ssettag $0x2  }
0x44: {  	s0 =	rddreg [dreg:$0x0];
	s2 =	stileid.u32  }
0x45: {  	s1 =	rddreg [dreg:$0x1];
	p0 =	sne.s32 s2, $0x0  }
0x46: {  	s3 =	rddreg [dreg:$0x2];
	[bflag:$0x3] =	sbarrier.arrive $0xFFFF;
	s2 =	simm.s32 @!p0 $0x1C01  }
0x47: {  	[timem:s3], [sflag:s2] =	dma.local @!p0 [hbm:s0], s1  }
0x48: {  	s0 =	simm.s32 @!p0 $0x1  }
0x49: {  	_ =	swait.ge @!p0 [sflag:s0], s1  }
0x4a: {  	s1 =	ssub.s32 @!p0 $0x0, s1;
	[sflag:s0] =	ssyncset.done @!p0 $0x0  }
0x4b: {  	[sflag:s0] =	ssyncadd.s32 @!p0 s1  }
0x4c: {  	[bflag:$0x3] =	sbarrier.arrive $0xFFFF  }
0x4d: {  	_ =	shalt  }

// kernel: kernel.14.cloned.1.call-start
scs
__scs_entry_jumppad:
0x0: {  	(pc) =	sbr.rel $0x88, $3  }
0x1: {  	(tag) =	ssettag $0x0;
	lr =	simm.s32 $0x1  }
0x2: {  	[smem:$0x3F7B] =	sst lr;
	_ =	strace $0xD0000000  }
0x3: {  	_ = 	snop  }
0x4: {  	_ = 	snop  }
0x5: {  	_ = 	snop  }
0x6: {  	_ = 	snop  }
0x7: {  	_ = 	snop  }
__scs_overlays_trampoline_lowered:
0x8: {  	[smem:$0x3F8A] =	sst s0  }
0x9: {  	[smem:$0x3F8B] =	sst s1  }
0xa: {  	[smem:$0x3F8C] =	sst s2  }
0xb: {  	[smem:$0x3F8D] =	sst s3  }
0xc: {  	[smem:$0x3F8E] =	sst s4  }
0xd: {  	[smem:$0x3F8F] =	sst s5  }
0xe: {  	[smem:$0x3F90] =	sst s6  }
0xf: {  	[smem:$0x3F91] =	sst s7  }
0x10: {  	[smem:$0x3F92] =	sst s8  }
0x11: {  	[smem:$0x3F93] =	sst s9;
	s0 =	simm.s32 @!p0 $0x0  }
0x12: {  	s1 =	sld [smem:$0x3F79];
	s0 =	simm.s32 @p0 $0x1  }
0x13: {  	[smem:$0x3F94] =	sst s0;
	s0 =	simm.s32 @!p1 $0x0  }
0x14: {  	s2 =	sld [smem:$0x3F78];
	s0 =	simm.s32 @p1 $0x1  }
0x15: {  	[smem:$0x3F95] =	sst s0;
	s0 =	simm.s32 @!p2 $0x0  }
0x16: {  	s3 =	sld [smem:$0x3FDB];
	s0 =	simm.s32 @p2 $0x1  }
0x17: {  	s4 =	simm.s32 $0x1BF5;
	[smem:$0x3F97] =	sst s0  }
0x18: {  	s0 =	sld [smem:$0x3F7A];
	_ =	swait.ge [sflag:s4], $0x0  }
0x19: {  	s7 =	sld [smem:$0x3F7B]  }
0x1a: {  	s8 =	sadd.s32 $0xFFFFE003, lr  }
0x1b: {  	s9 =	sadd.s32 $0xFFFFFEF7, lr;
	s5 =	simm.s32 $0xFFFFFFFF;
	p2 =	slt.u32 s8, $0xFFFFF086  }
0x1c: {  	p1 =	slt.u32 s9, $0xF7A;
	s5 =	simm.s32 @!p2 $0x0  }
0x1d: {  	s5 =	simm.s32 @p1 $0x1;
	p0 =	seq.s32 s7, s2  }
0x1e: {  	s7 =	smul.u32 @!p0 $0xF7A, s2;
	p2 =	seq.s32 @!p0 s5, $0x0  }
0x1f: {  	s9 =	smul.u32 $0xF7A, s1;
	s8 =	simm.s32 @!p0 $0x1BF5;
	p2 =	por !p2, p0  }
0x20: {  	[sflag:s8] =	ssyncset.s32 @!p0 $0xFFFFF086;
	s6 =	sadd.s32 @!p0 s3, s7;
	s7 =	simm.s32 @!p0 $0x108  }
0x21: {  	s3 =	sadd.s32 s3, s9;
	s6 =	sadd.s32 @!p0 $0x88, s6;
	s7 =	simm.s32 @p2 $0x1082  }
0x22: {  	[simem:s7], [sflag:s8] =	dma.local @!p0 [hbm:s6], $0xF7A  }
0x23: {  	s9 =	sor.u32 $0xD0000000, s2;
	s6 =	simm.s32 $0x108;
	_ =	swait.ge @!p0 [sflag:s8], $0x0  }
0x24: {  	s3 =	sadd.s32 $0x88, s3;
	s6 =	simm.s32 @!p1 $0x1082;
	[sflag:s4] =	ssyncset.s32 $0xFFFFF086  }
0x25: {  	[simem:s6], [sflag:s4] =	dma.local [hbm:s3], $0xF7A  }
0x26: {  	[smem:$0x3F7B] =	sst s1;
	(tag) =	ssettag s2;
	_ =	strace s9  }
0x27: {  	s1 =	sld [smem:$0x3F8B]  }
0x28: {  	s2 =	sld [smem:$0x3F8C]  }
0x29: {  	s4 =	sld [smem:$0x3F8E]  }
0x2a: {  	p0 =	seq.s32 s5, $0x0;
	s5 =	sld [smem:$0x3F8F]  }
0x2b: {  	s6 =	sld [smem:$0x3F90]  }
0x2c: {  	s7 =	sld [smem:$0x3F91]  }
0x2d: {  	s3 =	simm.s32 $0x108;
	s8 =	sld [smem:$0x3F92]  }
0x2e: {  	s3 =	simm.s32 @!p0 $0x1082;
	s9 =	sld [smem:$0x3F93]  }
0x2f: {  	lr =	sadd.s32 s0, s3;
	s0 =	sld [smem:$0x3F8A]  }
0x30: {  	s3 =	sld [smem:$0x3F8D]  }
0x31: {  	[smem:$0x3F96] =	sst s10  }
0x32: {  	s10 =	sld [smem:$0x3F94];
	_ =	sdelay $0x3  }
0x33: {  	p0 =	seq.s32 s10, $0x1;
	s10 =	sld [smem:$0x3F96];
	_ =	sdelay $0x3  }
0x34: {  	[smem:$0x3F96] =	sst s10  }
0x35: {  	s10 =	sld [smem:$0x3F95];
	_ =	sdelay $0x3  }
0x36: {  	p1 =	seq.s32 s10, $0x1;
	s10 =	sld [smem:$0x3F96];
	_ =	sdelay $0x3  }
0x37: {  	[smem:$0x3F96] =	sst s10  }
0x38: {  	s10 =	sld [smem:$0x3F97]  }
0x39: {  	_ = 	snop;
	(pc) =	sbr.ind lr, $3  }
0x3a: {  	_ = 	snop  }
0x3b: {  	_ = 	snop  }
0x3c: {  	p2 =	seq.s32 s10, $0x1;
	s10 =	sld [smem:$0x3F96]  }
0x3d: {  	_ =	shalt  }
0x3e: {  	_ =	shalt  }
0x3f: {  	_ =	shalt  }
0x40: {  	_ =	shalt  }
0x41: {  	_ =	shalt  }
0x42: {  	_ =	shalt  }
0x43: {  	_ =	shalt  }
0x44: {  	_ =	shalt  }
0x45: {  	_ =	shalt  }
0x46: {  	_ =	shalt  }
0x47: {  	_ =	shalt  }
0x48: {  	_ =	shalt  }
0x49: {  	_ =	shalt  }
0x4a: {  	_ =	shalt  }
0x4b: {  	_ =	shalt  }
0x4c: {  	_ =	shalt  }
0x4d: {  	_ =	shalt  }
0x4e: {  	_ =	shalt  }
0x4f: {  	_ =	shalt  }
0x50: {  	_ =	shalt  }
0x51: {  	_ =	shalt  }
0x52: {  	_ =	shalt  }
0x53: {  	_ =	shalt  }
0x54: {  	_ =	shalt  }
0x55: {  	_ =	shalt  }
0x56: {  	_ =	shalt  }
0x57: {  	_ =	shalt  }
0x58: {  	_ =	shalt  }
0x59: {  	_ =	shalt  }
0x5a: {  	_ =	shalt  }
0x5b: {  	_ =	shalt  }
0x5c: {  	_ =	shalt  }
0x5d: {  	_ =	shalt  }
0x5e: {  	_ =	shalt  }
0x5f: {  	_ =	shalt  }
0x60: {  	_ =	shalt  }
0x61: {  	_ =	shalt  }
0x62: {  	_ =	shalt  }
0x63: {  	_ =	shalt  }
0x64: {  	_ =	shalt  }
0x65: {  	_ =	shalt  }
0x66: {  	_ =	shalt  }
0x67: {  	_ =	shalt  }
0x68: {  	_ =	shalt  }
0x69: {  	_ =	shalt  }
0x6a: {  	_ =	shalt  }
0x6b: {  	_ =	shalt  }
0x6c: {  	_ =	shalt  }
0x6d: {  	_ =	shalt  }
0x6e: {  	_ =	shalt  }
0x6f: {  	_ =	shalt  }
0x70: {  	_ =	shalt  }
0x71: {  	_ =	shalt  }
0x72: {  	_ =	shalt  }
0x73: {  	_ =	shalt  }
0x74: {  	_ =	shalt  }
0x75: {  	_ =	shalt  }
0x76: {  	_ =	shalt  }
0x77: {  	_ =	shalt  }
0x78: {  	_ =	shalt  }
0x79: {  	_ =	shalt  }
0x7a: {  	_ =	shalt  }
0x7b: {  	_ =	shalt  }
0x7c: {  	_ =	shalt  }
0x7d: {  	_ =	shalt  }
0x7e: {  	_ =	shalt  }
0x7f: {  	_ =	shalt  }
0x80: {  	_ =	shalt  }
0x81: {  	_ =	shalt  }
0x82: {  	_ =	shalt  }
0x83: {  	_ =	shalt  }
0x84: {  	_ =	shalt  }
0x85: {  	_ =	shalt  }
0x86: {  	_ =	shalt  }
0x87: {  	_ =	shalt  }
.Lfunc_end0:
.L_simem_size_0:
called_computation.2_lowered:
.L_overlay_start_0:
0x88: {  	s2 =	sld [smem:$0x3FD9]  }
0x89: {  	s3 =	sld [smem:$0x3FFE];
	_ =	sdelay $0x1  }
0x8a: {  	s1 =	srdreg.scid  }
0x8b: {  	s0 =	sand.u32 $0x1, s1  }
0x8c: {  	s16 =	sshll.u32 s0, $0xA;
	s2 =	sadd.s32 s3, s2  }
0x8d: {  	s2 =	sadd.s32 s2, s16  }
0x8e: {  	[smem:$0x3FA2] =	sst s2  }
0x8f: {  	_ = 	snop  }
0x90: {  	(tm) =	ssettm $0x1  }
0x91: {  	s17 =	sld [smem:$0x3FFB];
	_ =	sdelay $0x3  }
0x92: {  	_ =	strace s17  }
0x93: {  	s2 =	sld [smem:$0x3FFC];
	_ =	sdelay $0x3  }
0x94: {  	_ =	strace s2  }
0x95: {  	s2 =	sld [smem:$0x3FFD];
	_ =	sdelay $0x3  }
0x96: {  	_ =	strace s2  }
0x97: {  	_ =	strace $0x8FFFFFFF  }
0x98: {  	s18 =	sld [smem:$0x3FDB];
	_ =	sdelay $0x1  }
0x99: {  	s19 =	simm.s32 $_scs_section_size  }
0x9a: {  	s4 =	simm.s32 $_size__tile_overlayer_lowered;
	s5 =	simm.s32 $_tile_overlayer_lowered  }
0x9b: {  	s22 =	simm.s32 $0x1BFF;
	s21 =	sshll.u32 s5, $0x1;
	s2 =	sadd.s32 s19, s18  }
0x9c: {  	s6 =	simm.s32 $0x0;
	s20 =	sshll.u32 s4, $0x1;
	s4 =	sadd.s32 s21, s2  }
0x9d: {  	[timem:s6], [sflag:s22] =	dma.local [hbm:s4], s20  }
0x9e: {  	_ =	swait.ge [sflag:s22], s20  }
0x9f: {  	s3 =	ssub.s32 $0x0, s20;
	[sflag:s22] =	ssyncset.done $0x0  }
0xa0: {  	[sflag:s22] =	ssyncadd.s32 s3;
	_ =	sdelay $0x1  }
0xa1: {  	s23 =	simm.s32 $0x1B8B  }
0xa2: {  	_ =	swait.ge [sflag:s23], $0x1  }
0xa3: {  	[sflag:s23] =	ssyncset.done $0x0  }
0xa4: {  	s25 =	simm.s32 $0x1B8E;
	s24 =	sld [smem:$0x3FFE];
	[sflag:s23] =	ssyncadd.s32 $0xFFFFFFFF  }
0xa5: {  	s26 =	simm.s32 $execute0_lowered;
	[smem:$0x3FD2] =	sst s25  }
0xa6: {  	s4 =	sshll.u32 s26, $0x1;
	_ =	strace $0x80000049;
	[dreg:$0x1] =	wrdreg $0xFFFFFFFF  }
0xa7: {  	s28 =	simm.s32 $_size_execute0_lowered;
	s2 =	sadd.s32 s2, s4;
	[dreg:$0x0] =	wrdreg $0x0  }
0xa8: {  	s4 =	sshll.u32 s28, $0x1;
	[dreg:$0x2] =	wrdreg s2  }
0xa9: {  	[dreg:$0x3] =	wrdreg s4  }
0xaa: {  	[dreg:$0x4] =	wrdreg $0xC0  }
0xab: {  	_ =	task [dreg:s6], $0x5FFFF  }
0xac: {  	[dreg:$0x1] =	wrdreg $0xFFFFFFFF  }
0xad: {  	[dreg:$0x0] =	wrdreg $0x60  }
0xae: {  	[dreg:$0x2] =	wrdreg s24  }
0xaf: {  	[dreg:$0x3] =	wrdreg $0x16F80  }
0xb0: {  	[dreg:$0x4] =	wrdreg $0xA  }
0xb1: {  	_ =	task.clear_ibuf [dreg:s6], $0x5FFFF;
	_ =	strace $0x90000049  }
0xb2: {  	s29 =	simm.s32 $0xA;
	_ =	strace $0x8000004B  }
0xb3: {  	_ =	swait.ge [sflag:s29], $0x1  }
0xb4: {  	[sflag:s29] =	ssyncadd.s32 $0xFFFFFFFF  }
0xb5: {  	_ =	strace $0x9000004B  }
0xb6: {  	_ =	sfence  }
0xb7: {  	s30 =	sld [smem:$0x0];
	_ =	sdelay $0x2  }
0xb8: {  	s31 =	sshll.u32 s1, $0xD;
	s1 =	sshrl.u32 s1, $0x2  }
0xb9: {  	s3 =	sand.u32 $0x4000, s31;
	s1 =	sadd.s32 s1, s30  }
0xba: {  	s0 =	sor.u32 s3, s0;
	s1 =	sshll.u32 s1, $0x11  }
0xbb: {  	s0 =	sor.u32 s1, s0  }
0xbc: {  	s0 =	sadd.s32 $0x8F2B, s0  }
0xbd: {  	[sflag:s0] =	ssyncadd.remote.s32 $0x1  }
0xbe: {  	_ =	sfence.sel $0xFFFF  }
0xbf: {  	[dreg:$0x0] =	wrdreg $0xFFFFFFFF;
	(pc) =	sbr.abs _section_cstart, $3  }
0xc0: {  	[dreg:$0x1] =	wrdreg $0xFFFFFFFF  }
0xc1: {  	_ =	task.clear_ibuf [dreg:s6], $0x2FFFF;
	_ =	strace $0x9FFFFFFF  }
0xc2: {  	(tm) =	ssettm $0x7FFFFFFF  }
0xc3: {  	_ =	shalt  }
tec
execute0_lowered:
.L_overlay_start_1:
0x0: {  	(tag) =	ssettag $0x1  }
0x1: {  	s0 =	stileid.u32;
	s1 =	srdreg.scid  }
0x2: {  	s5 =	rddreg [dreg:$0x0];
	s4 =	smul.u32 $0x75300, s0  }
0x3: {  	s2 =	rddreg [dreg:$0x1];
	s3 =	simm.s32 $0x0;
	s7 =	smul.u32 $0x7530, s0  }
0x4: {  	s14 =	simm.s32 $0x78;
	s6 =	sand.u32 $0x1, s1;
	s9 =	smul.u32 $0xB400, s0  }
0x5: {  	s15 =	simm.s32 $0x0;
	s1 =	rddreg [dreg:$0x2];
	s8 =	smul.u32 $0x3A98, s6  }
0x6: {  	[smem:$0x7FF] =	sst s3;
	s30 =	sshll.u32 s0, $0x6;
	s25 =	smul.u32 $0xB4000, s6  }
0x7: {  	_ =	strace $0x8000004A;
	s28 =	ssub.s32 $0x2, s6;
	s12 =	smul.u32 $0x3A980, s6  }
0x8: {  	s10 =	sadd.s32 s4, s5;
	s4 =	sadd.s32 $0x5400, s5;
	s29 =	sshrl.u32 s28, $0x1  }
0x9: {  	s13 =	sadd.s32 s9, s2;
	s7 =	sadd.s32 s8, s7;
	s26 =	sadd.s32 s9, s25  }
0xa: {  	s8 =	ssub.s32 s28, s29;
	s31 =	sadd.s32 s12, s10;
	s7 =	sshrl.u32 s7, $0x3  }
0xb: {  	s10 =	sshrl.u32 s13, $0x3;
	s11 =	sadd.s32 s7, s5;
	s7 =	sshrl.u32 s26, $0x3  }
0xc: {  	s12 =	simm.s32 $0x30;
	s13 =	simm.s32 $0x80;
	s7 =	sadd.s32 s7, s5  }
0xd: {  	s5 =	sor.u32 $0x1C01, s30;
	s9 =	sadd.s32 $0x14600, s11;
	s11 =	simm.s32 $0x1  }
0xe: {  	s6 =	sadd.s32 $0x23200, s7;
	s7 =	smax.u32 s8, $0x1;
	s8 =	sadd.s32 $0x1188608, s31  }
.LBB2_1:
0xf: {  	[spmem:s10], [sflag:s5] =	dma.local [hbm:s4], $0x1680  }
0x10: {  	_ =	swait.ge [sflag:s11], $0x1680  }
0x11: {  	[sflag:s11] =	ssyncset.done $0x0  }
0x12: {  	[sflag:s11] =	ssyncadd.s32 $0xFFFFE980  }
0x13: {  	s16 =	sadd.s32 $0x0, s9;
	[bflag:$0x0] =	sbarrier.arrive $0xFFFF  }
0x14: {  	[tilespmem:s3], [sflag:$0x1] =	stream.linear.gather [hbm4b:s16+s3], $0x78, $0x38;
	[tilespmem:$0xCAF8] =	vst v63  }
0x15: {  	_ =	swait.ge [sflag:s11], $0x78  }
0x16: {  	[sflag:s11] =	ssyncset.done $0x0  }
0x17: {  	[sflag:s11] =	ssyncadd.s32 $0xFFFFFF88  }
0x18: {  	[tilespmem:s14], [sflag:$0x1] =	stream.strided.gather [hbm4b:s8+s12], $0x1680, s13, s12, $0x38;
	[tilespmem:$0xCAF8] =	vst v63  }
0x19: {  	_ =	swait.ge [sflag:s11], $0x1680  }
0x1a: {  	[sflag:s11] =	ssyncset.done $0x0  }
0x1b: {  	[sflag:s11] =	ssyncadd.s32 $0xFFFFE980  }
0x1c: {  	[spmem:s2] =	stream.indirect.scatter.add.f32 [tilespmem:s14], [sflag:$0x1], $0x30, s3, s14, $0xb8;
	[tilespmem:$0xCAF8] =	vst v63  }
0x1d: {  	s17 =	simm.s32 $0xF;
	_ =	swait.ge [sflag:s11], $0x1680  }
0x1e: {  	s18 =	simm.s32 $0x1E;
	s16 =	sadd.s32 $0x780, s8;
	[sflag:s11] =	ssyncset.done $0x0  }
.LBB2_2:
0x1f: {  	s19 =	sadd.s32 s17, s9  }
0x20: {  	[sflag:s11] =	ssyncadd.s32 $0xFFFFE980;
	s17 =	smov.u32 s18;
	s20 =	sadd.s32 $0xF, s18  }
0x21: {  	[tilespmem:s3], [sflag:$0x1] =	stream.linear.gather [hbm4b:s19+s3], $0x78, $0x38;
	[tilespmem:$0xCAF8] =	vst v63  }
0x22: {  	p0 =	sne.s32 s18, $0x744;
	_ =	swait.ge [sflag:s11], $0x78  }
0x23: {  	[sflag:s11] =	ssyncset.done $0x0  }
0x24: {  	[sflag:s11] =	ssyncadd.s32 $0xFFFFFF88  }
0x25: {  	[tilespmem:s14], [sflag:$0x1] =	stream.strided.gather [hbm4b:s16+s12], $0x1680, s13, s12, $0x38;
	[tilespmem:$0xCAF8] =	vst v63  }
0x26: {  	_ =	swait.ge [sflag:s11], $0x1680  }
.Ltmp0:
0x27: {  	[sflag:s11] =	ssyncset.done $0x0;
	(pc) =	sbr.rel @p0 .LBB2_2-.Ltmp0, $4  }
0x28: {  	[sflag:s11] =	ssyncadd.s32 $0xFFFFE980  }
0x29: {  	[spmem:s2] =	stream.indirect.scatter.add.f32 [tilespmem:s14], [sflag:$0x1], $0x30, s3, s14, $0xb8;
	[tilespmem:$0xCAF8] =	vst v63  }
0x2a: {  	_ =	swait.ge [sflag:s11], $0x1680  }
0x2b: {  	s18 =	smov.u32 s20;
	s16 =	sadd.s32 $0x780, s16;
	[sflag:s11] =	ssyncset.done $0x0  }
0x2c: {  	s17 =	sadd.s32 s17, s9;
	[sflag:s11] =	ssyncadd.s32 $0xFFFFE980  }
0x2d: {  	[tilespmem:s3], [sflag:$0x1] =	stream.linear.gather [hbm4b:s17+s3], $0x78, $0x38;
	[tilespmem:$0xCAF8] =	vst v63  }
0x2e: {  	_ =	swait.ge [sflag:s11], $0x78  }
0x2f: {  	[sflag:s11] =	ssyncset.done $0x0  }
0x30: {  	[sflag:s11] =	ssyncadd.s32 $0xFFFFFF88  }
0x31: {  	[tilespmem:s14], [sflag:$0x1] =	stream.strided.gather [hbm4b:s16+s12], $0x1680, s13, s12, $0x38;
	[tilespmem:$0xCAF8] =	vst v63  }
0x32: {  	_ =	swait.ge [sflag:s11], $0x1680  }
0x33: {  	[sflag:s11] =	ssyncset.done $0x0  }
0x34: {  	[sflag:s11] =	ssyncadd.s32 $0xFFFFE980  }
0x35: {  	[spmem:s2] =	stream.indirect.scatter.add.f32 [tilespmem:s14], [sflag:$0x1], $0x30, s3, s14, $0xb8;
	[tilespmem:$0xCAF8] =	vst v63  }
0x36: {  	_ =	swait.ge [sflag:s11], $0x1680  }
0x37: {  	s15 =	sadd.s32 $0x1, s15;
	[sflag:s11] =	ssyncset.done $0x0  }
0x38: {  	p0 =	sne.s32 s15, s7;
	[sflag:s11] =	ssyncadd.s32 $0xFFFFE980  }
.Ltmp1:
0x39: {  	[bflag:$0x0] =	sbarrier.arrive $0xFFFF;
	(pc) =	sbr.rel @p0 .LBB2_1-.Ltmp1, $4  }
0x3a: {  	[hbm:s6], [sflag:s5] =	dma.local [spmem:s10], $0x1680  }
0x3b: {  	_ =	swait.ge [sflag:s11], $0x1680  }
0x3c: {  	[sflag:s11] =	ssyncset.done $0x0  }
0x3d: {  	[sflag:s11] =	ssyncadd.s32 $0xFFFFE980  }
0x3e: {  	_ =	sfence.sel $0x180000  }
0x3f: {  	[bflag:$0x0] =	sbarrier.arrive $0xFFFF  }
0x40: {  	p0 =	sne.s32 s0, $0x0;
	_ =	strace $0x9000004A  }
0x41: {  	s0 =	sadd.s32 @!p0 $0x100000, s1;
	[bflag:$0x2] =	sbarrier.arrive $0xFFFF  }
0x42: {  	[sflag:s0] =	ssyncadd.tile.s32 @!p0 $0x1;
	_ =	shalt  }
.Lfunc_end2:
_tile_overlayer_lowered:
.L_overlay_start_2:
0x43: {  	(tag) =	ssettag $0x2  }
0x44: {  	s0 =	rddreg [dreg:$0x0];
	s2 =	stileid.u32  }
0x45: {  	s1 =	rddreg [dreg:$0x1];
	p0 =	sne.s32 s2, $0x0  }
0x46: {  	s3 =	rddreg [dreg:$0x2];
	[bflag:$0x3] =	sbarrier.arrive $0xFFFF;
	s2 =	simm.s32 @!p0 $0x1C01  }
0x47: {  	[timem:s3], [sflag:s2] =	dma.local @!p0 [hbm:s0], s1  }
0x48: {  	s0 =	simm.s32 @!p0 $0x1  }
0x49: {  	_ =	swait.ge @!p0 [sflag:s0], s1  }
0x4a: {  	s1 =	ssub.s32 @!p0 $0x0, s1;
	[sflag:s0] =	ssyncset.done @!p0 $0x0  }
0x4b: {  	[sflag:s0] =	ssyncadd.s32 @!p0 s1  }
0x4c: {  	[bflag:$0x3] =	sbarrier.arrive $0xFFFF  }
0x4d: {  	_ =	shalt  }

// kernel: kernel.8.cloned.1.call-start
scs
__scs_entry_jumppad:
0x0: {  	(pc) =	sbr.rel $0x88, $3  }
0x1: {  	(tag) =	ssettag $0x0;
	lr =	simm.s32 $0x1  }
0x2: {  	[smem:$0x3F7B] =	sst lr;
	_ =	strace $0xD0000000  }
0x3: {  	_ = 	snop  }
0x4: {  	_ = 	snop  }
0x5: {  	_ = 	snop  }
0x6: {  	_ = 	snop  }
0x7: {  	_ = 	snop  }
__scs_overlays_trampoline_lowered:
0x8: {  	[smem:$0x3F8A] =	sst s0  }
0x9: {  	[smem:$0x3F8B] =	sst s1  }
0xa: {  	[smem:$0x3F8C] =	sst s2  }
0xb: {  	[smem:$0x3F8D] =	sst s3  }
0xc: {  	[smem:$0x3F8E] =	sst s4  }
0xd: {  	[smem:$0x3F8F] =	sst s5  }
0xe: {  	[smem:$0x3F90] =	sst s6  }
0xf: {  	[smem:$0x3F91] =	sst s7  }
0x10: {  	[smem:$0x3F92] =	sst s8  }
0x11: {  	[smem:$0x3F93] =	sst s9;
	s0 =	simm.s32 @!p0 $0x0  }
0x12: {  	s1 =	sld [smem:$0x3F79];
	s0 =	simm.s32 @p0 $0x1  }
0x13: {  	[smem:$0x3F94] =	sst s0;
	s0 =	simm.s32 @!p1 $0x0  }
0x14: {  	s2 =	sld [smem:$0x3F78];
	s0 =	simm.s32 @p1 $0x1  }
0x15: {  	[smem:$0x3F95] =	sst s0;
	s0 =	simm.s32 @!p2 $0x0  }
0x16: {  	s3 =	sld [smem:$0x3FDB];
	s0 =	simm.s32 @p2 $0x1  }
0x17: {  	s4 =	simm.s32 $0x1BF5;
	[smem:$0x3F97] =	sst s0  }
0x18: {  	s0 =	sld [smem:$0x3F7A];
	_ =	swait.ge [sflag:s4], $0x0  }
0x19: {  	s7 =	sld [smem:$0x3F7B]  }
0x1a: {  	s8 =	sadd.s32 $0xFFFFE003, lr  }
0x1b: {  	s9 =	sadd.s32 $0xFFFFFEF7, lr;
	s5 =	simm.s32 $0xFFFFFFFF;
	p2 =	slt.u32 s8, $0xFFFFF086  }
0x1c: {  	p1 =	slt.u32 s9, $0xF7A;
	s5 =	simm.s32 @!p2 $0x0  }
0x1d: {  	s5 =	simm.s32 @p1 $0x1;
	p0 =	seq.s32 s7, s2  }
0x1e: {  	s7 =	smul.u32 @!p0 $0xF7A, s2;
	p2 =	seq.s32 @!p0 s5, $0x0  }
0x1f: {  	s9 =	smul.u32 $0xF7A, s1;
	s8 =	simm.s32 @!p0 $0x1BF5;
	p2 =	por !p2, p0  }
0x20: {  	[sflag:s8] =	ssyncset.s32 @!p0 $0xFFFFF086;
	s6 =	sadd.s32 @!p0 s3, s7;
	s7 =	simm.s32 @!p0 $0x108  }
0x21: {  	s3 =	sadd.s32 s3, s9;
	s6 =	sadd.s32 @!p0 $0x88, s6;
	s7 =	simm.s32 @p2 $0x1082  }
0x22: {  	[simem:s7], [sflag:s8] =	dma.local @!p0 [hbm:s6], $0xF7A  }
0x23: {  	s9 =	sor.u32 $0xD0000000, s2;
	s6 =	simm.s32 $0x108;
	_ =	swait.ge @!p0 [sflag:s8], $0x0  }
0x24: {  	s3 =	sadd.s32 $0x88, s3;
	s6 =	simm.s32 @!p1 $0x1082;
	[sflag:s4] =	ssyncset.s32 $0xFFFFF086  }
0x25: {  	[simem:s6], [sflag:s4] =	dma.local [hbm:s3], $0xF7A  }
0x26: {  	[smem:$0x3F7B] =	sst s1;
	(tag) =	ssettag s2;
	_ =	strace s9  }
0x27: {  	s1 =	sld [smem:$0x3F8B]  }
0x28: {  	s2 =	sld [smem:$0x3F8C]  }
0x29: {  	s4 =	sld [smem:$0x3F8E]  }
0x2a: {  	p0 =	seq.s32 s5, $0x0;
	s5 =	sld [smem:$0x3F8F]  }
0x2b: {  	s6 =	sld [smem:$0x3F90]  }
0x2c: {  	s7 =	sld [smem:$0x3F91]  }
0x2d: {  	s3 =	simm.s32 $0x108;
	s8 =	sld [smem:$0x3F92]  }
0x2e: {  	s3 =	simm.s32 @!p0 $0x1082;
	s9 =	sld [smem:$0x3F93]  }
0x2f: {  	lr =	sadd.s32 s0, s3;
	s0 =	sld [smem:$0x3F8A]  }
0x30: {  	s3 =	sld [smem:$0x3F8D]  }
0x31: {  	[smem:$0x3F96] =	sst s10  }
0x32: {  	s10 =	sld [smem:$0x3F94];
	_ =	sdelay $0x3  }
0x33: {  	p0 =	seq.s32 s10, $0x1;
	s10 =	sld [smem:$0x3F96];
	_ =	sdelay $0x3  }
0x34: {  	[smem:$0x3F96] =	sst s10  }
0x35: {  	s10 =	sld [smem:$0x3F95];
	_ =	sdelay $0x3  }
0x36: {  	p1 =	seq.s32 s10, $0x1;
	s10 =	sld [smem:$0x3F96];
	_ =	sdelay $0x3  }
0x37: {  	[smem:$0x3F96] =	sst s10  }
0x38: {  	s10 =	sld [smem:$0x3F97]  }
0x39: {  	_ = 	snop;
	(pc) =	sbr.ind lr, $3  }
0x3a: {  	_ = 	snop  }
0x3b: {  	_ = 	snop  }
0x3c: {  	p2 =	seq.s32 s10, $0x1;
	s10 =	sld [smem:$0x3F96]  }
0x3d: {  	_ =	shalt  }
0x3e: {  	_ =	shalt  }
0x3f: {  	_ =	shalt  }
0x40: {  	_ =	shalt  }
0x41: {  	_ =	shalt  }
0x42: {  	_ =	shalt  }
0x43: {  	_ =	shalt  }
0x44: {  	_ =	shalt  }
0x45: {  	_ =	shalt  }
0x46: {  	_ =	shalt  }
0x47: {  	_ =	shalt  }
0x48: {  	_ =	shalt  }
0x49: {  	_ =	shalt  }
0x4a: {  	_ =	shalt  }
0x4b: {  	_ =	shalt  }
0x4c: {  	_ =	shalt  }
0x4d: {  	_ =	shalt  }
0x4e: {  	_ =	shalt  }
0x4f: {  	_ =	shalt  }
0x50: {  	_ =	shalt  }
0x51: {  	_ =	shalt  }
0x52: {  	_ =	shalt  }
0x53: {  	_ =	shalt  }
0x54: {  	_ =	shalt  }
0x55: {  	_ =	shalt  }
0x56: {  	_ =	shalt  }
0x57: {  	_ =	shalt  }
0x58: {  	_ =	shalt  }
0x59: {  	_ =	shalt  }
0x5a: {  	_ =	shalt  }
0x5b: {  	_ =	shalt  }
0x5c: {  	_ =	shalt  }
0x5d: {  	_ =	shalt  }
0x5e: {  	_ =	shalt  }
0x5f: {  	_ =	shalt  }
0x60: {  	_ =	shalt  }
0x61: {  	_ =	shalt  }
0x62: {  	_ =	shalt  }
0x63: {  	_ =	shalt  }
0x64: {  	_ =	shalt  }
0x65: {  	_ =	shalt  }
0x66: {  	_ =	shalt  }
0x67: {  	_ =	shalt  }
0x68: {  	_ =	shalt  }
0x69: {  	_ =	shalt  }
0x6a: {  	_ =	shalt  }
0x6b: {  	_ =	shalt  }
0x6c: {  	_ =	shalt  }
0x6d: {  	_ =	shalt  }
0x6e: {  	_ =	shalt  }
0x6f: {  	_ =	shalt  }
0x70: {  	_ =	shalt  }
0x71: {  	_ =	shalt  }
0x72: {  	_ =	shalt  }
0x73: {  	_ =	shalt  }
0x74: {  	_ =	shalt  }
0x75: {  	_ =	shalt  }
0x76: {  	_ =	shalt  }
0x77: {  	_ =	shalt  }
0x78: {  	_ =	shalt  }
0x79: {  	_ =	shalt  }
0x7a: {  	_ =	shalt  }
0x7b: {  	_ =	shalt  }
0x7c: {  	_ =	shalt  }
0x7d: {  	_ =	shalt  }
0x7e: {  	_ =	shalt  }
0x7f: {  	_ =	shalt  }
0x80: {  	_ =	shalt  }
0x81: {  	_ =	shalt  }
0x82: {  	_ =	shalt  }
0x83: {  	_ =	shalt  }
0x84: {  	_ =	shalt  }
0x85: {  	_ =	shalt  }
0x86: {  	_ =	shalt  }
0x87: {  	_ =	shalt  }
.Lfunc_end0:
.L_simem_size_0:
called_computation_lowered:
.L_overlay_start_0:
0x88: {  	s2 =	sld [smem:$0x3FD9]  }
0x89: {  	s3 =	sld [smem:$0x3FFE];
	_ =	sdelay $0x1  }
0x8a: {  	s1 =	srdreg.scid  }
0x8b: {  	s0 =	sand.u32 $0x1, s1  }
0x8c: {  	s17 =	sshll.u32 s0, $0xA;
	s2 =	sadd.s32 s3, s2  }
0x8d: {  	s2 =	sadd.s32 s2, s17  }
0x8e: {  	[smem:$0x3FA2] =	sst s2  }
0x8f: {  	_ = 	snop  }
0x90: {  	s2 =	sld [smem:$0x3FD0];
	(tm) =	ssettm $0x1  }
0x91: {  	s18 =	sld [smem:$0x3FFB];
	_ =	sdelay $0x3  }
0x92: {  	_ =	strace s18  }
0x93: {  	s3 =	sld [smem:$0x3FFC];
	_ =	sdelay $0x3  }
0x94: {  	_ =	strace s3  }
0x95: {  	s3 =	sld [smem:$0x3FFD];
	_ =	sdelay $0x3  }
0x96: {  	_ =	strace s3  }
0x97: {  	_ =	strace $0x8FFFFFFF  }
0x98: {  	s19 =	sld [smem:$0x3FDB];
	_ =	sdelay $0x1  }
0x99: {  	s4 =	simm.s32 $_scs_section_size  }
0x9a: {  	s5 =	simm.s32 $_size__tile_overlayer_lowered;
	s6 =	simm.s32 $_tile_overlayer_lowered  }
0x9b: {  	s22 =	simm.s32 $0x1BFF;
	s21 =	sshll.u32 s6, $0x1;
	s3 =	sadd.s32 s4, s19  }
0x9c: {  	s7 =	simm.s32 $0x0;
	s20 =	sshll.u32 s5, $0x1;
	s5 =	sadd.s32 s21, s3  }
0x9d: {  	[timem:s7], [sflag:s22] =	dma.local [hbm:s5], s20  }
0x9e: {  	_ =	swait.ge [sflag:s22], s20  }
0x9f: {  	s4 =	ssub.s32 $0x0, s20;
	[sflag:s22] =	ssyncset.done $0x0  }
0xa0: {  	[sflag:s22] =	ssyncadd.s32 s4;
	_ =	sdelay $0x1  }
0xa1: {  	s23 =	simm.s32 $0x1B8B  }
0xa2: {  	_ =	swait.ge [sflag:s23], $0x1  }
0xa3: {  	[sflag:s23] =	ssyncset.done $0x0  }
0xa4: {  	s25 =	simm.s32 $0x1B8E;
	s24 =	sld [smem:$0x3FFE];
	[sflag:s23] =	ssyncadd.s32 $0xFFFFFFFF  }
0xa5: {  	s26 =	simm.s32 $execute0_lowered;
	[smem:$0x3FD2] =	sst s25  }
0xa6: {  	s5 =	sshll.u32 s26, $0x1;
	_ =	strace $0x80000046;
	[dreg:$0x1] =	wrdreg $0xFFFFFFFF  }
0xa7: {  	s28 =	simm.s32 $_size_execute0_lowered;
	s3 =	sadd.s32 s3, s5;
	[dreg:$0x0] =	wrdreg $0x0  }
0xa8: {  	s5 =	sshll.u32 s28, $0x1;
	[dreg:$0x2] =	wrdreg s3  }
0xa9: {  	[dreg:$0x3] =	wrdreg s5  }
0xaa: {  	[dreg:$0x4] =	wrdreg $0xC0  }
0xab: {  	_ =	task [dreg:s7], $0x5FFFF  }
0xac: {  	[dreg:$0x1] =	wrdreg $0xFFFFFFFF  }
0xad: {  	[dreg:$0x0] =	wrdreg $0x60  }
0xae: {  	[dreg:$0x2] =	wrdreg s24  }
0xaf: {  	[dreg:$0x3] =	wrdreg s2  }
0xb0: {  	[dreg:$0x4] =	wrdreg $0x9  }
0xb1: {  	_ =	task.clear_ibuf [dreg:s7], $0x5FFFF;
	_ =	strace $0x90000046  }
0xb2: {  	s29 =	simm.s32 $0x9;
	_ =	strace $0x80000048  }
0xb3: {  	_ =	swait.ge [sflag:s29], $0x1  }
0xb4: {  	[sflag:s29] =	ssyncadd.s32 $0xFFFFFFFF  }
0xb5: {  	_ =	strace $0x90000048  }
0xb6: {  	_ =	sfence  }
0xb7: {  	s30 =	sld [smem:$0x0];
	_ =	sdelay $0x2  }
0xb8: {  	s31 =	sshll.u32 s1, $0xD;
	s1 =	sshrl.u32 s1, $0x2  }
0xb9: {  	s3 =	sand.u32 $0x4000, s31;
	s1 =	sadd.s32 s1, s30  }
0xba: {  	s0 =	sor.u32 s3, s0;
	s1 =	sshll.u32 s1, $0x11  }
0xbb: {  	s0 =	sor.u32 s1, s0  }
0xbc: {  	s0 =	sadd.s32 $0x8F2B, s0  }
0xbd: {  	[sflag:s0] =	ssyncadd.remote.s32 $0x1  }
0xbe: {  	_ =	sfence.sel $0xFFFF  }
0xbf: {  	[dreg:$0x0] =	wrdreg $0xFFFFFFFF;
	(pc) =	sbr.abs _section_cstart, $3  }
0xc0: {  	[dreg:$0x1] =	wrdreg $0xFFFFFFFF  }
0xc1: {  	_ =	task.clear_ibuf [dreg:s7], $0x2FFFF;
	_ =	strace $0x9FFFFFFF  }
0xc2: {  	(tm) =	ssettm $0x7FFFFFFF  }
0xc3: {  	_ =	shalt  }
tec
execute0_lowered:
.L_overlay_start_1:
0x0: {  	(tag) =	ssettag $0x1  }
0x1: {  	s5 =	rddreg [dreg:$0x0]  }
0x2: {  	s2 =	rddreg [dreg:$0x1]  }
0x3: {  	s0 =	rddreg [dreg:$0x2]  }
0x4: {  	s4 =	srdreg.scid;
	s1 =	stileid.u32  }
0x5: {  	s3 =	simm.s32 $0x0;
	s12 =	simm.s32 $0xF0;
	s13 =	simm.s32 $0x3CF0  }
0x6: {  	s14 =	simm.s32 $0x1;
	s15 =	simm.s32 $0x2;
	s7 =	smul.u32 $0x7530, s1  }
0x7: {  	s16 =	simm.s32 $0x0;
	s6 =	sand.u32 $0x1, s4;
	s30 =	smul.u32 $0x75300, s1  }
0x8: {  	[smem:$0x7FF] =	sst s3;
	s4 =	sadd.s32 $0x21F000, s5;
	s8 =	smul.u32 $0x3A98, s6  }
0x9: {  	_ =	strace $0x80000047;
	s10 =	ssub.s32 $0x2, s6;
	s6 =	smul.u32 $0x3A980, s6  }
0xa: {  	s11 =	sshrl.u32 s10, $0x1;
	s7 =	sadd.s32 s8, s7;
	s8 =	sadd.s32 s30, s5  }
0xb: {  	s31 =	ssub.s32 s10, s11;
	s10 =	simm.s32 $0x3;
	s11 =	simm.s32 $0x78  }
0xc: {  	s9 =	sshrl.u32 s7, $0x3;
	s7 =	sadd.s32 s7, s5;
	s8 =	sadd.s32 s6, s8  }
0xd: {  	s9 =	sadd.s32 s9, s5;
	s5 =	smax.u32 s31, $0x1;
	s6 =	sadd.s32 $0x23200, s7  }
0xe: {  	s7 =	sadd.s32 $0x2E2600, s8;
	s8 =	sadd.s32 $0x14600, s9;
	s9 =	sadd.s32 $0x5A00, s9  }
.LBB2_1:
0xf: {  	s17 =	sadd.s32 $0x0, s9  }
0x10: {  	[tilespmem:s3], [sflag:$0x3] =	stream.linear.gather [hbm4b:s17+s3], $0x78, $0x38;
	[tilespmem:$0x40B0] =	vst v63  }
0x11: {  	_ =	swait.ge [sflag:s10], $0x78  }
0x12: {  	[sflag:s10] =	ssyncset.done $0x0  }
0x13: {  	s31 =	sadd.s32 $0x0, s8;
	[sflag:s10] =	ssyncadd.s32 $0xFFFFFF88  }
0x14: {  	[tilespmem:s11], [sflag:$0x3] =	stream.linear.gather [hbm4b:s31+s3], $0x78, $0x38;
	[tilespmem:$0x40B0] =	vst v63  }
0x15: {  	_ =	swait.ge [sflag:s10], $0x78  }
0x16: {  	[sflag:s10] =	ssyncset.done $0x0  }
0x17: {  	[sflag:s10] =	ssyncadd.s32 $0xFFFFFF88  }
0x18: {  	[tilespmem:s12], [sflag:$0x1] =	stream.indirect.gather [hbm4b:s4+s11], $0x80, s3, s11, $0xb8;
	[tilespmem:$0x40B0] =	vst v63  }
0x19: {  	_ = 	snop  }
0x1a: {  	[tilespmem:s13], [sflag:$0x2] =	stream.indirect.gather [hbm4b:s2+s11], $0x8, s11, s11, $0xb8;
	[tilespmem:$0x40B0] =	vst v63  }
0x1b: {  	_ =	swait.ge [sflag:s14], $0x3C00  }
0x1c: {  	[sflag:s14] =	ssyncset.done $0x0  }
0x1d: {  	[sflag:s14] =	ssyncadd.s32 $0xFFFFC400  }
0x1e: {  	_ =	swait.ge [sflag:s15], $0x3C0  }
0x1f: {  	[sflag:s15] =	ssyncset.done $0x0  }
0x20: {  	[sflag:s15] =	ssyncadd.s32 $0xFFFFFC40  }
0x21: {  	[hbm4b:s7+s3] =	stream.linear.scatter [tilespmem:s12], [sflag:$0x3], $0x3C00, $0x38;
	[tilespmem:$0x40B0] =	vst v63  }
0x22: {  	_ =	swait.ge [sflag:s10], $0x3C00  }
0x23: {  	[sflag:s10] =	ssyncset.done $0x0  }
0x24: {  	[sflag:s10] =	ssyncadd.s32 $0xFFFFC400  }
0x25: {  	[hbm4b:s6+s3] =	stream.linear.scatter [tilespmem:s13], [sflag:$0x3], $0x3C0, $0x38;
	[tilespmem:$0x40B0] =	vst v63  }
0x26: {  	s19 =	simm.s32 $0xF;
	s20 =	simm.s32 $0x1E;
	_ =	swait.ge [sflag:s10], $0x3C0  }
0x27: {  	s18 =	sadd.s32 $0x780, s7;
	s17 =	sadd.s32 $0x78, s6;
	[sflag:s10] =	ssyncset.done $0x0  }
.LBB2_2:
0x28: {  	s21 =	sadd.s32 s19, s9  }
0x29: {  	[sflag:s10] =	ssyncadd.s32 $0xFFFFFC40;
	s22 =	smov.u32 s20;
	s23 =	sadd.s32 $0xF, s20  }
0x2a: {  	[tilespmem:s3], [sflag:$0x3] =	stream.linear.gather [hbm4b:s21+s3], $0x78, $0x38;
	[tilespmem:$0x40B0] =	vst v63  }
0x2b: {  	p0 =	sne.s32 s20, $0x744;
	_ =	swait.ge [sflag:s10], $0x78  }
0x2c: {  	[sflag:s10] =	ssyncset.done $0x0  }
0x2d: {  	s20 =	sadd.s32 s19, s8;
	s19 =	smov.u32 s22;
	[sflag:s10] =	ssyncadd.s32 $0xFFFFFF88  }
0x2e: {  	[tilespmem:s11], [sflag:$0x3] =	stream.linear.gather [hbm4b:s20+s3], $0x78, $0x38;
	[tilespmem:$0x40B0] =	vst v63  }
0x2f: {  	_ =	swait.ge [sflag:s10], $0x78  }
0x30: {  	[sflag:s10] =	ssyncset.done $0x0  }
0x31: {  	[sflag:s10] =	ssyncadd.s32 $0xFFFFFF88  }
0x32: {  	[tilespmem:s12], [sflag:$0x1] =	stream.indirect.gather [hbm4b:s4+s11], $0x80, s3, s11, $0xb8;
	[tilespmem:$0x40B0] =	vst v63  }
0x33: {  	_ = 	snop  }
0x34: {  	[tilespmem:s13], [sflag:$0x2] =	stream.indirect.gather [hbm4b:s2+s11], $0x8, s11, s11, $0xb8;
	[tilespmem:$0x40B0] =	vst v63  }
0x35: {  	_ =	swait.ge [sflag:s14], $0x3C00  }
0x36: {  	[sflag:s14] =	ssyncset.done $0x0  }
0x37: {  	[sflag:s14] =	ssyncadd.s32 $0xFFFFC400  }
0x38: {  	_ =	swait.ge [sflag:s15], $0x3C0  }
0x39: {  	[sflag:s15] =	ssyncset.done $0x0  }
0x3a: {  	[sflag:s15] =	ssyncadd.s32 $0xFFFFFC40  }
0x3b: {  	[hbm4b:s18+s3] =	stream.linear.scatter [tilespmem:s12], [sflag:$0x3], $0x3C00, $0x38;
	[tilespmem:$0x40B0] =	vst v63  }
0x3c: {  	_ =	swait.ge [sflag:s10], $0x3C00  }
.Ltmp0:
0x3d: {  	[sflag:s10] =	ssyncset.done $0x0;
	(pc) =	sbr.rel @p0 .LBB2_2-.Ltmp0, $4  }
0x3e: {  	[sflag:s10] =	ssyncadd.s32 $0xFFFFC400  }
0x3f: {  	[hbm4b:s17+s3] =	stream.linear.scatter [tilespmem:s13], [sflag:$0x3], $0x3C0, $0x38;
	[tilespmem:$0x40B0] =	vst v63  }
0x40: {  	s20 =	smov.u32 s23;
	_ =	swait.ge [sflag:s10], $0x3C0  }
0x41: {  	s18 =	sadd.s32 $0x780, s18;
	s17 =	sadd.s32 $0x78, s17;
	[sflag:s10] =	ssyncset.done $0x0  }
0x42: {  	s20 =	sadd.s32 s19, s9;
	[sflag:s10] =	ssyncadd.s32 $0xFFFFFC40  }
0x43: {  	[tilespmem:s3], [sflag:$0x3] =	stream.linear.gather [hbm4b:s20+s3], $0x78, $0x38;
	[tilespmem:$0x40B0] =	vst v63  }
0x44: {  	_ =	swait.ge [sflag:s10], $0x78  }
0x45: {  	[sflag:s10] =	ssyncset.done $0x0  }
0x46: {  	s31 =	sadd.s32 s19, s8;
	[sflag:s10] =	ssyncadd.s32 $0xFFFFFF88  }
0x47: {  	[tilespmem:s11], [sflag:$0x3] =	stream.linear.gather [hbm4b:s31+s3], $0x78, $0x38;
	[tilespmem:$0x40B0] =	vst v63  }
0x48: {  	_ =	swait.ge [sflag:s10], $0x78  }
0x49: {  	[sflag:s10] =	ssyncset.done $0x0  }
0x4a: {  	[sflag:s10] =	ssyncadd.s32 $0xFFFFFF88  }
0x4b: {  	[tilespmem:s12], [sflag:$0x1] =	stream.indirect.gather [hbm4b:s4+s11], $0x80, s3, s11, $0xb8;
	[tilespmem:$0x40B0] =	vst v63  }
0x4c: {  	_ = 	snop  }
0x4d: {  	[tilespmem:s13], [sflag:$0x2] =	stream.indirect.gather [hbm4b:s2+s11], $0x8, s11, s11, $0xb8;
	[tilespmem:$0x40B0] =	vst v63  }
0x4e: {  	_ =	swait.ge [sflag:s14], $0x3C00  }
0x4f: {  	[sflag:s14] =	ssyncset.done $0x0  }
0x50: {  	[sflag:s14] =	ssyncadd.s32 $0xFFFFC400  }
0x51: {  	_ =	swait.ge [sflag:s15], $0x3C0  }
0x52: {  	[sflag:s15] =	ssyncset.done $0x0  }
0x53: {  	[sflag:s15] =	ssyncadd.s32 $0xFFFFFC40  }
0x54: {  	[hbm4b:s18+s3] =	stream.linear.scatter [tilespmem:s12], [sflag:$0x3], $0x3C00, $0x38;
	[tilespmem:$0x40B0] =	vst v63  }
0x55: {  	s16 =	sadd.s32 $0x1, s16;
	_ =	swait.ge [sflag:s10], $0x3C00  }
0x56: {  	p0 =	sne.s32 s16, s5;
	[sflag:s10] =	ssyncset.done $0x0  }
.Ltmp1:
0x57: {  	[sflag:s10] =	ssyncadd.s32 $0xFFFFC400;
	(pc) =	sbr.rel @p0 .LBB2_1-.Ltmp1, $4  }
0x58: {  	[hbm4b:s17+s3] =	stream.linear.scatter [tilespmem:s13], [sflag:$0x3], $0x3C0, $0x38;
	[tilespmem:$0x40B0] =	vst v63  }
0x59: {  	_ =	swait.ge [sflag:s10], $0x3C0  }
0x5a: {  	[sflag:s10] =	ssyncset.done $0x0  }
0x5b: {  	[sflag:s10] =	ssyncadd.s32 $0xFFFFFC40  }
0x5c: {  	_ =	sfence.sel $0x180000  }
0x5d: {  	[bflag:$0x0] =	sbarrier.arrive $0xFFFF  }
0x5e: {  	p0 =	sne.s32 s1, $0x0;
	_ =	strace $0x90000047  }
0x5f: {  	s0 =	sadd.s32 @!p0 $0x100000, s0;
	[bflag:$0x2] =	sbarrier.arrive $0xFFFF  }
0x60: {  	[sflag:s0] =	ssyncadd.tile.s32 @!p0 $0x1;
	_ =	shalt  }
.Lfunc_end2:
_tile_overlayer_lowered:
.L_overlay_start_2:
0x61: {  	(tag) =	ssettag $0x2  }
0x62: {  	s0 =	rddreg [dreg:$0x0];
	s2 =	stileid.u32  }
0x63: {  	s1 =	rddreg [dreg:$0x1];
	p0 =	sne.s32 s2, $0x0  }
0x64: {  	s3 =	rddreg [dreg:$0x2];
	[bflag:$0x3] =	sbarrier.arrive $0xFFFF;
	s2 =	simm.s32 @!p0 $0x1C03  }
0x65: {  	[timem:s3], [sflag:s2] =	dma.local @!p0 [hbm:s0], s1  }
0x66: {  	s0 =	simm.s32 @!p0 $0x3  }
0x67: {  	_ =	swait.ge @!p0 [sflag:s0], s1  }
0x68: {  	s1 =	ssub.s32 @!p0 $0x0, s1;
	[sflag:s0] =	ssyncset.done @!p0 $0x0  }
0x69: {  	[sflag:s0] =	ssyncadd.s32 @!p0 s1  }
0x6a: {  	[bflag:$0x3] =	sbarrier.arrive $0xFFFF  }
0x6b: {  	_ =	shalt  }

</sc_bundles>
